<compile_context>
chip_gen: v7x
topology: tpu7x:2x2x1
jax: 0.10.2.dev20260603
libtpu: 0.0.44.dev20260713+nightly
codegen_flags: <defaults>
</compile_context>

<pallas_src>
import functools

import jax
import jax.numpy as jnp
from jax import lax
from jax.experimental import pallas as pl
from jax.experimental.pallas import tpu as pltpu
from jax.experimental.pallas import tpu_sc as plsc

B = 16
L = 2048
LANES = 16
VECS = L // LANES


def _make_sc_kernel():
    mesh = plsc.VectorSubcoreMesh(
        core_axis_name="c", subcore_axis_name="s", num_cores=1
    )

    @functools.partial(
        pl.kernel,
        mesh=mesh,
        out_type=jax.ShapeDtypeStruct((LANES,), jnp.float32),
        scratch_types=[
            pltpu.VMEM((L,), jnp.float32),
            pltpu.VMEM((LANES,), jnp.float32),
            pltpu.VMEM(((B - 1) * LANES,), jnp.float32),
            pltpu.VMEM((B,), jnp.int32),
            pltpu.VMEM((B,), jnp.int32),
            pltpu.VMEM_SHARED((B * LANES,), jnp.float32),
            pltpu.SemaphoreType.DMA,
            pltpu.SemaphoreType.DMA,
            pltpu.SemaphoreType.DMA,
            pltpu.SemaphoreType.DMA,
        ],
    )
    def body(pred_hbm, lits_hbm, labels_hbm, out_hbm,
             chunk, rowbuf, allrows, lits_v, labels_v, shared,
             sem_pred, sem_pred1, sem_lits, sem_labels):
        s = lax.axis_index("s")
        H = L // 2
        cp_pred0 = pltpu.async_copy(
            pred_hbm.at[pl.ds(s * L, H)], chunk.at[pl.ds(0, H)], sem_pred)
        cp_pred1 = pltpu.async_copy(
            pred_hbm.at[pl.ds(s * L + H, H)], chunk.at[pl.ds(H, H)], sem_pred1)
        cp_lits = pltpu.async_copy(lits_hbm, lits_v, sem_lits)
        cp_labels = pltpu.async_copy(labels_hbm, labels_v, sem_labels)

        cp_lits.wait()
        cp_labels.wait()
        lits_f = lits_v[...].astype(jnp.float32)
        labels_f = labels_v[...].astype(jnp.float32)
        scale = (1.0 - 2.0 * labels_f) / (lits_f * float(B))
        lane = lax.iota(jnp.int32, LANES)
        my_scale = scale.at[lane * 0 + s].get(mode="promise_in_bounds")

        NACC = 8
        UNROLL = 16
        zeros = [jnp.zeros((LANES,), jnp.float32) for _ in range(NACC)]

        def block(i, accs):
            accs = list(accs)
            for k in range(UNROLL):
                d = chunk[pl.ds(i * (UNROLL * LANES) + k * LANES, LANES)] - 0.5
                accs[k % NACC] = accs[k % NACC] + d * d
            return tuple(accs)

        cp_pred0.wait()
        accs = lax.fori_loop(0, VECS // (2 * UNROLL), block, tuple(zeros))
        cp_pred1.wait()
        accs = list(lax.fori_loop(
            VECS // (2 * UNROLL), VECS // UNROLL, block, accs))
        while len(accs) > 1:
            accs = [a + b for a, b in zip(accs[::2], accs[1::2])]
        partial = accs[0] * my_scale

        @pl.when(s != 0)
        def _():
            rowbuf[...] = partial
            pltpu.sync_copy(rowbuf, shared.at[pl.ds(s * LANES, LANES)])

        plsc.subcore_barrier()

        @pl.when(s == 0)
        def _():
            pltpu.sync_copy(
                shared.at[pl.ds(LANES, (B - 1) * LANES)], allrows)
            tot = partial
            for i in range(B - 1):
                tot = tot + allrows[pl.ds(i * LANES, LANES)]
            for sh in (8, 4, 2, 1):
                tot = tot + tot.at[lane ^ sh].get(mode="promise_in_bounds")
            rowbuf[...] = tot
            pltpu.sync_copy(rowbuf, out_hbm)

    return body


_sc_kernel = _make_sc_kernel()


def kernel(predictions, lit_sizes, disc_labels):
    preds = predictions.astype(jnp.float32)
    lits = lit_sizes.astype(jnp.int32)
    labels = disc_labels.astype(jnp.int32)
    out = _sc_kernel(preds, lits, labels)
    return out[0]

# --- scband reference (transcript-rebuilt; emitter-appended) ---
"""Pipeline reference for scband-neuro-satloss-53730040873557 (READ-ONLY COPY).

The authoritative reference and input builder live on the scoring server;
editing this copy changes nothing except your own understanding.
"""

import jax, jax.numpy as jnp
import numpy as np

B = 16
L = 2048
TOTAL = B * L

def setup_inputs(seed: int = 0) -> dict:
    key = jax.random.key(seed)
    k1, k2 = jax.random.split(key)
    predictions = jax.random.uniform(k1, (TOTAL,), dtype=jnp.float32)
    lit_sizes = jnp.full((B,), L, dtype=jnp.int32)
    disc_labels = jax.random.randint(k2, (B,), 0, 2)
    return {"predictions": predictions, "lit_sizes": lit_sizes, "disc_labels": disc_labels}

def reference(predictions, lit_sizes, disc_labels):
    # Ragged per-problem loss: for each problem i, pred_i = predictions[offset_i : offset_i + lit_sizes[i]]
    # signal = (discrim(pred_i) * 2 - 1) * -1  (discriminator modeled as a 0/1 SAT label per problem)
    # loss_i = signal * sum((pred_i - 0.5)^2) / lit_sizes[i];  total = mean over problems
    nb = lit_sizes.shape[0]
    segment_ids = jnp.repeat(jnp.arange(nb), lit_sizes, total_repeat_length=predictions.shape[0])
    sq_sums = jax.ops.segment_sum(jnp.square(predictions - 0.5), segment_ids, num_segments=nb)
    signal = (disc_labels.astype(jnp.float32) * 2.0 - 1.0) * -1.0
    per_problem = signal * sq_sums / lit_sizes.astype(jnp.float32)
    return jnp.sum(per_problem) / nb

if __name__ == "__main__":
    import jax
    _d = setup_inputs()
    print(jax.jit(kernel)(*tuple(_d.values())))

</pallas_src>

<mosaic_0001>
#map = affine_map<(d0, d1) -> (0)>
module attributes {stable_mosaic.version = 14 : i64} {
  func.func @body(%arg0: i32, %arg1: i32, %arg2: memref<32768xf32, #tpu.memory_space<hbm>>, %arg3: memref<16xi32, #tpu.memory_space<hbm>>, %arg4: memref<16xi32, #tpu.memory_space<hbm>>, %arg5: memref<16xf32, #tpu.memory_space<hbm>>, %arg6: memref<2048xf32, #tpu.memory_space<vmem>>, %arg7: memref<16xf32, #tpu.memory_space<vmem>>, %arg8: memref<240xf32, #tpu.memory_space<vmem>>, %arg9: memref<16xi32, #tpu.memory_space<vmem>>, %arg10: memref<16xi32, #tpu.memory_space<vmem>>, %arg11: memref<256xf32, #tpu.memory_space<vmem_shared>>, %arg12: memref<!tpu.dma_semaphore, #tpu.memory_space<semaphore_mem>>, %arg13: memref<!tpu.dma_semaphore, #tpu.memory_space<semaphore_mem>>, %arg14: memref<!tpu.dma_semaphore, #tpu.memory_space<semaphore_mem>>, %arg15: memref<!tpu.dma_semaphore, #tpu.memory_space<semaphore_mem>>) attributes {dimension_semantics = [#tpu.dimension_semantics<core_parallel>, #tpu.dimension_semantics<subcore_parallel>], iteration_bounds = array<i64: 1, 16>, scalar_prefetch = 0 : i64, scratch_operands = 10 : i64, tpu.core_type = #tpu.core_type<sc_vector_subcore>, window_params = [{transform_indices = #map}, {transform_indices = #map}, {transform_indices = #map}, {transform_indices = #map}]} {
    %mul3A = arith.constant 2048 : i32
    %mul3A_0 = arith.muli %arg1, %mul3A : i32
    %dma_start3A = arith.constant 0 : i32
    %dma_start3A_1 = tpu.memref_slice %arg6[%dma_start3A] : memref<2048xf32, #tpu.memory_space<vmem>> -> memref<1024xf32, #tpu.memory_space<vmem>>
    %dma_start3A_2 = tpu.memref_slice %arg2[%mul3A_0] : memref<32768xf32, #tpu.memory_space<hbm>> -> memref<1024xf32, #tpu.memory_space<hbm>>
    %dma_start3A_3 = arith.constant 0 : i32
    %dma_start3A_4 = tpu.memref_slice %arg6[%dma_start3A_3] : memref<2048xf32, #tpu.memory_space<vmem>> -> memref<1024xf32, #tpu.memory_space<vmem>>
    %dma_start3A_5 = tpu.memref_slice %arg2[%mul3A_0] : memref<32768xf32, #tpu.memory_space<hbm>> -> memref<1024xf32, #tpu.memory_space<hbm>>
    tpu.enqueue_dma source(%dma_start3A_5 : memref<1024xf32, #tpu.memory_space<hbm>>) target(%dma_start3A_4 : memref<1024xf32, #tpu.memory_space<vmem>>) target_semaphore(%arg12 : memref<!tpu.dma_semaphore, #tpu.memory_space<semaphore_mem>>)
    %mul3A_6 = arith.constant 2048 : i32
    %mul3A_7 = arith.muli %arg1, %mul3A_6 : i32
    %add3A = arith.constant 1024 : i32
    %add3A_8 = arith.addi %mul3A_7, %add3A : i32
    %dma_start3A_9 = arith.constant 1024 : i32
    %dma_start3A_10 = tpu.memref_slice %arg6[%dma_start3A_9] : memref<2048xf32, #tpu.memory_space<vmem>> -> memref<1024xf32, #tpu.memory_space<vmem>>
    %dma_start3A_11 = tpu.memref_slice %arg2[%add3A_8] : memref<32768xf32, #tpu.memory_space<hbm>> -> memref<1024xf32, #tpu.memory_space<hbm>>
    %dma_start3A_12 = arith.constant 1024 : i32
    %dma_start3A_13 = tpu.memref_slice %arg6[%dma_start3A_12] : memref<2048xf32, #tpu.memory_space<vmem>> -> memref<1024xf32, #tpu.memory_space<vmem>>
    %dma_start3A_14 = tpu.memref_slice %arg2[%add3A_8] : memref<32768xf32, #tpu.memory_space<hbm>> -> memref<1024xf32, #tpu.memory_space<hbm>>
    tpu.enqueue_dma source(%dma_start3A_14 : memref<1024xf32, #tpu.memory_space<hbm>>) target(%dma_start3A_13 : memref<1024xf32, #tpu.memory_space<vmem>>) target_semaphore(%arg13 : memref<!tpu.dma_semaphore, #tpu.memory_space<semaphore_mem>>)
    tpu.enqueue_dma source(%arg3 : memref<16xi32, #tpu.memory_space<hbm>>) target(%arg9 : memref<16xi32, #tpu.memory_space<vmem>>) target_semaphore(%arg14 : memref<!tpu.dma_semaphore, #tpu.memory_space<semaphore_mem>>)
    tpu.enqueue_dma source(%arg4 : memref<16xi32, #tpu.memory_space<hbm>>) target(%arg10 : memref<16xi32, #tpu.memory_space<vmem>>) target_semaphore(%arg15 : memref<!tpu.dma_semaphore, #tpu.memory_space<semaphore_mem>>)
    tpu.wait_dma2 semaphore(%arg14 : memref<!tpu.dma_semaphore, #tpu.memory_space<semaphore_mem>>) src(%arg3 : memref<16xi32, #tpu.memory_space<hbm>>) dst(%arg9 : memref<16xi32, #tpu.memory_space<vmem>>)
    tpu.wait_dma2 semaphore(%arg15 : memref<!tpu.dma_semaphore, #tpu.memory_space<semaphore_mem>>) src(%arg4 : memref<16xi32, #tpu.memory_space<hbm>>) dst(%arg10 : memref<16xi32, #tpu.memory_space<vmem>>)
    %get3A = arith.constant 0 : index
    %get3A_15 = tpu.vector_load %arg9[%get3A] {strides = array<i32>} : memref<16xi32, #tpu.memory_space<vmem>>, vector<16xi32>,
    %get3A_16 = vector.shape_cast %get3A_15 : vector<16xi32> to vector<16xi32>
    %convert_element_type3A = arith.sitofp %get3A_16 : vector<16xi32> to vector<16xf32>
    %get3A_17 = arith.constant 0 : index
    %get3A_18 = tpu.vector_load %arg10[%get3A_17] {strides = array<i32>} : memref<16xi32, #tpu.memory_space<vmem>>, vector<16xi32>,
    %get3A_19 = vector.shape_cast %get3A_18 : vector<16xi32> to vector<16xi32>
    %convert_element_type3A_20 = arith.sitofp %get3A_19 : vector<16xi32> to vector<16xf32>
    %mul3A_21 = arith.constant 2.000000e+00 : f32
    %mul3A_22 = vector.broadcast %mul3A_21 : f32 to vector<16xf32>
    %mul3A_23 = arith.mulf %mul3A_22, %convert_element_type3A_20 : vector<16xf32>
    %sub3A = arith.constant 1.000000e+00 : f32
    %sub3A_24 = vector.broadcast %sub3A : f32 to vector<16xf32>
    %sub3A_25 = arith.subf %sub3A_24, %mul3A_23 : vector<16xf32>
    %mul3A_26 = arith.constant 1.600000e+01 : f32
    %mul3A_27 = vector.broadcast %mul3A_26 : f32 to vector<16xf32>
    %mul3A_28 = arith.mulf %convert_element_type3A, %mul3A_27 : vector<16xf32>
    %div3A = arith.divf %sub3A_25, %mul3A_28 : vector<16xf32>
    %iota3A = tpu.iota {dimensions = array<i32: 0>} : vector<16xi32>
    %mul3A_29 = arith.constant 0 : i32
    %mul3A_30 = vector.broadcast %mul3A_29 : i32 to vector<16xi32>
    %mul3A_31 = arith.muli %iota3A, %mul3A_30 : vector<16xi32>
    %add3A_32 = vector.broadcast %arg1 : i32 to vector<16xi32>
    %add3A_33 = arith.addi %mul3A_31, %add3A_32 : vector<16xi32>
    %lt3A = arith.constant 0 : i32
    %lt3A_34 = vector.broadcast %lt3A : i32 to vector<16xi32>
    %lt3A_35 = arith.cmpi slt, %add3A_33, %lt3A_34 : vector<16xi32>
    %add3A_36 = arith.constant 16 : i32
    %add3A_37 = vector.broadcast %add3A_36 : i32 to vector<16xi32>
    %add3A_38 = arith.addi %add3A_33, %add3A_37 : vector<16xi32>
    %select_n3A = arith.select %lt3A_35, %add3A_38, %add3A_33 : vector<16xi1>, vector<16xi32>
    %broadcast_in_dim3A = vector.shape_cast %select_n3A : vector<16xi32> to vector<16x1xi32>
    %gather3A = vector.shape_cast %broadcast_in_dim3A : vector<16x1xi32> to vector<16xi32>
    %gather3A_39 = tpu.dynamic_gather %div3A[%gather3A] in [0] : vector<16xf32>, vector<16xi32> -> vector<16xf32>
    %broadcast_in_dim3A_40 = arith.constant 0.000000e+00 : f32
    %broadcast_in_dim3A_41 = vector.broadcast %broadcast_in_dim3A_40 : f32 to vector<16xf32>
    %broadcast_in_dim3A_42 = arith.constant 0.000000e+00 : f32
    %broadcast_in_dim3A_43 = vector.broadcast %broadcast_in_dim3A_42 : f32 to vector<16xf32>
    %broadcast_in_dim3A_44 = arith.constant 0.000000e+00 : f32
    %broadcast_in_dim3A_45 = vector.broadcast %broadcast_in_dim3A_44 : f32 to vector<16xf32>
    %broadcast_in_dim3A_46 = arith.constant 0.000000e+00 : f32
    %broadcast_in_dim3A_47 = vector.broadcast %broadcast_in_dim3A_46 : f32 to vector<16xf32>
    %broadcast_in_dim3A_48 = arith.constant 0.000000e+00 : f32
    %broadcast_in_dim3A_49 = vector.broadcast %broadcast_in_dim3A_48 : f32 to vector<16xf32>
    %broadcast_in_dim3A_50 = arith.constant 0.000000e+00 : f32
    %broadcast_in_dim3A_51 = vector.broadcast %broadcast_in_dim3A_50 : f32 to vector<16xf32>
    %broadcast_in_dim3A_52 = arith.constant 0.000000e+00 : f32
    %broadcast_in_dim3A_53 = vector.broadcast %broadcast_in_dim3A_52 : f32 to vector<16xf32>
    %broadcast_in_dim3A_54 = arith.constant 0.000000e+00 : f32
    %broadcast_in_dim3A_55 = vector.broadcast %broadcast_in_dim3A_54 : f32 to vector<16xf32>
    %dma_wait3A = arith.constant 0 : i32
    %dma_wait3A_56 = tpu.memref_slice %arg6[%dma_wait3A] : memref<2048xf32, #tpu.memory_space<vmem>> -> memref<1024xf32, #tpu.memory_space<vmem>>
    %dma_wait3A_57 = tpu.memref_slice %arg2[%mul3A_0] : memref<32768xf32, #tpu.memory_space<hbm>> -> memref<1024xf32, #tpu.memory_space<hbm>>
    %dma_wait3A_58 = arith.constant 0 : i32
    %dma_wait3A_59 = tpu.memref_slice %arg6[%dma_wait3A_58] : memref<2048xf32, #tpu.memory_space<vmem>> -> memref<1024xf32, #tpu.memory_space<vmem>>
    %dma_wait3A_60 = tpu.memref_slice %arg2[%mul3A_0] : memref<32768xf32, #tpu.memory_space<hbm>> -> memref<1024xf32, #tpu.memory_space<hbm>>
    tpu.wait_dma2 semaphore(%arg12 : memref<!tpu.dma_semaphore, #tpu.memory_space<semaphore_mem>>) src(%dma_wait3A_60 : memref<1024xf32, #tpu.memory_space<hbm>>) dst(%dma_wait3A_59 : memref<1024xf32, #tpu.memory_space<vmem>>)
    %scan3A = arith.constant 0 : i32
    %scan3A_61 = arith.constant 4 : i32
    %scan3A_62 = arith.addi %scan3A, %scan3A_61 : i32
    %scan3A_63 = arith.constant 1 : i32
    %scan3A_64:8 = scf.for %scan3A_93 = %scan3A to %scan3A_62 step %scan3A_63 iter_args(%scan3A_94 = %broadcast_in_dim3A_41, %scan3A_95 = %broadcast_in_dim3A_43, %scan3A_96 = %broadcast_in_dim3A_45, %scan3A_97 = %broadcast_in_dim3A_47, %scan3A_98 = %broadcast_in_dim3A_49, %scan3A_99 = %broadcast_in_dim3A_51, %scan3A_100 = %broadcast_in_dim3A_53, %scan3A_101 = %broadcast_in_dim3A_55) -> (vector<16xf32>, vector<16xf32>, vector<16xf32>, vector<16xf32>, vector<16xf32>, vector<16xf32>, vector<16xf32>, vector<16xf32>)  : i32 {
      %mul3A_102 = arith.constant 256 : i32
      %mul3A_103 = arith.muli %scan3A_93, %mul3A_102 : i32
      %add3A_104 = arith.constant 0 : i32
      %add3A_105 = arith.addi %mul3A_103, %add3A_104 : i32
      %get3A_106 = arith.index_cast %add3A_105 : i32 to index
      %get3A_107 = tpu.vector_load %arg6[%get3A_106] {strides = array<i32>} : memref<2048xf32, #tpu.memory_space<vmem>>, vector<16xf32>,
      %get3A_108 = vector.shape_cast %get3A_107 : vector<16xf32> to vector<16xf32>
      %sub3A_109 = arith.constant 5.000000e-01 : f32
      %sub3A_110 = vector.broadcast %sub3A_109 : f32 to vector<16xf32>
      %sub3A_111 = arith.subf %get3A_108, %sub3A_110 : vector<16xf32>
      %mul3A_112 = arith.mulf %sub3A_111, %sub3A_111 : vector<16xf32>
      %add3A_113 = arith.addf %scan3A_94, %mul3A_112 : vector<16xf32>
      %mul3A_114 = arith.constant 256 : i32
      %mul3A_115 = arith.muli %scan3A_93, %mul3A_114 : i32
      %add3A_116 = arith.constant 16 : i32
      %add3A_117 = arith.addi %mul3A_115, %add3A_116 : i32
      %get3A_118 = arith.index_cast %add3A_117 : i32 to index
      %get3A_119 = tpu.vector_load %arg6[%get3A_118] {strides = array<i32>} : memref<2048xf32, #tpu.memory_space<vmem>>, vector<16xf32>,
      %get3A_120 = vector.shape_cast %get3A_119 : vector<16xf32> to vector<16xf32>
      %sub3A_121 = arith.constant 5.000000e-01 : f32
      %sub3A_122 = vector.broadcast %sub3A_121 : f32 to vector<16xf32>
      %sub3A_123 = arith.subf %get3A_120, %sub3A_122 : vector<16xf32>
      %mul3A_124 = arith.mulf %sub3A_123, %sub3A_123 : vector<16xf32>
      %add3A_125 = arith.addf %scan3A_95, %mul3A_124 : vector<16xf32>
      %mul3A_126 = arith.constant 256 : i32
      %mul3A_127 = arith.muli %scan3A_93, %mul3A_126 : i32
      %add3A_128 = arith.constant 32 : i32
      %add3A_129 = arith.addi %mul3A_127, %add3A_128 : i32
      %get3A_130 = arith.index_cast %add3A_129 : i32 to index
      %get3A_131 = tpu.vector_load %arg6[%get3A_130] {strides = array<i32>} : memref<2048xf32, #tpu.memory_space<vmem>>, vector<16xf32>,
      %get3A_132 = vector.shape_cast %get3A_131 : vector<16xf32> to vector<16xf32>
      %sub3A_133 = arith.constant 5.000000e-01 : f32
      %sub3A_134 = vector.broadcast %sub3A_133 : f32 to vector<16xf32>
      %sub3A_135 = arith.subf %get3A_132, %sub3A_134 : vector<16xf32>
      %mul3A_136 = arith.mulf %sub3A_135, %sub3A_135 : vector<16xf32>
      %add3A_137 = arith.addf %scan3A_96, %mul3A_136 : vector<16xf32>
      %mul3A_138 = arith.constant 256 : i32
      %mul3A_139 = arith.muli %scan3A_93, %mul3A_138 : i32
      %add3A_140 = arith.constant 48 : i32
      %add3A_141 = arith.addi %mul3A_139, %add3A_140 : i32
      %get3A_142 = arith.index_cast %add3A_141 : i32 to index
      %get3A_143 = tpu.vector_load %arg6[%get3A_142] {strides = array<i32>} : memref<2048xf32, #tpu.memory_space<vmem>>, vector<16xf32>,
      %get3A_144 = vector.shape_cast %get3A_143 : vector<16xf32> to vector<16xf32>
      %sub3A_145 = arith.constant 5.000000e-01 : f32
      %sub3A_146 = vector.broadcast %sub3A_145 : f32 to vector<16xf32>
      %sub3A_147 = arith.subf %get3A_144, %sub3A_146 : vector<16xf32>
      %mul3A_148 = arith.mulf %sub3A_147, %sub3A_147 : vector<16xf32>
      %add3A_149 = arith.addf %scan3A_97, %mul3A_148 : vector<16xf32>
      %mul3A_150 = arith.constant 256 : i32
      %mul3A_151 = arith.muli %scan3A_93, %mul3A_150 : i32
      %add3A_152 = arith.constant 64 : i32
      %add3A_153 = arith.addi %mul3A_151, %add3A_152 : i32
      %get3A_154 = arith.index_cast %add3A_153 : i32 to index
      %get3A_155 = tpu.vector_load %arg6[%get3A_154] {strides = array<i32>} : memref<2048xf32, #tpu.memory_space<vmem>>, vector<16xf32>,
      %get3A_156 = vector.shape_cast %get3A_155 : vector<16xf32> to vector<16xf32>
      %sub3A_157 = arith.constant 5.000000e-01 : f32
      %sub3A_158 = vector.broadcast %sub3A_157 : f32 to vector<16xf32>
      %sub3A_159 = arith.subf %get3A_156, %sub3A_158 : vector<16xf32>
      %mul3A_160 = arith.mulf %sub3A_159, %sub3A_159 : vector<16xf32>
      %add3A_161 = arith.addf %scan3A_98, %mul3A_160 : vector<16xf32>
      %mul3A_162 = arith.constant 256 : i32
      %mul3A_163 = arith.muli %scan3A_93, %mul3A_162 : i32
      %add3A_164 = arith.constant 80 : i32
      %add3A_165 = arith.addi %mul3A_163, %add3A_164 : i32
      %get3A_166 = arith.index_cast %add3A_165 : i32 to index
      %get3A_167 = tpu.vector_load %arg6[%get3A_166] {strides = array<i32>} : memref<2048xf32, #tpu.memory_space<vmem>>, vector<16xf32>,
      %get3A_168 = vector.shape_cast %get3A_167 : vector<16xf32> to vector<16xf32>
      %sub3A_169 = arith.constant 5.000000e-01 : f32
      %sub3A_170 = vector.broadcast %sub3A_169 : f32 to vector<16xf32>
      %sub3A_171 = arith.subf %get3A_168, %sub3A_170 : vector<16xf32>
      %mul3A_172 = arith.mulf %sub3A_171, %sub3A_171 : vector<16xf32>
      %add3A_173 = arith.addf %scan3A_99, %mul3A_172 : vector<16xf32>
      %mul3A_174 = arith.constant 256 : i32
      %mul3A_175 = arith.muli %scan3A_93, %mul3A_174 : i32
      %add3A_176 = arith.constant 96 : i32
      %add3A_177 = arith.addi %mul3A_175, %add3A_176 : i32
      %get3A_178 = arith.index_cast %add3A_177 : i32 to index
      %get3A_179 = tpu.vector_load %arg6[%get3A_178] {strides = array<i32>} : memref<2048xf32, #tpu.memory_space<vmem>>, vector<16xf32>,
      %get3A_180 = vector.shape_cast %get3A_179 : vector<16xf32> to vector<16xf32>
      %sub3A_181 = arith.constant 5.000000e-01 : f32
      %sub3A_182 = vector.broadcast %sub3A_181 : f32 to vector<16xf32>
      %sub3A_183 = arith.subf %get3A_180, %sub3A_182 : vector<16xf32>
      %mul3A_184 = arith.mulf %sub3A_183, %sub3A_183 : vector<16xf32>
      %add3A_185 = arith.addf %scan3A_100, %mul3A_184 : vector<16xf32>
      %mul3A_186 = arith.constant 256 : i32
      %mul3A_187 = arith.muli %scan3A_93, %mul3A_186 : i32
      %add3A_188 = arith.constant 112 : i32
      %add3A_189 = arith.addi %mul3A_187, %add3A_188 : i32
      %get3A_190 = arith.index_cast %add3A_189 : i32 to index
      %get3A_191 = tpu.vector_load %arg6[%get3A_190] {strides = array<i32>} : memref<2048xf32, #tpu.memory_space<vmem>>, vector<16xf32>,
      %get3A_192 = vector.shape_cast %get3A_191 : vector<16xf32> to vector<16xf32>
      %sub3A_193 = arith.constant 5.000000e-01 : f32
      %sub3A_194 = vector.broadcast %sub3A_193 : f32 to vector<16xf32>
      %sub3A_195 = arith.subf %get3A_192, %sub3A_194 : vector<16xf32>
      %mul3A_196 = arith.mulf %sub3A_195, %sub3A_195 : vector<16xf32>
      %add3A_197 = arith.addf %scan3A_101, %mul3A_196 : vector<16xf32>
      %mul3A_198 = arith.constant 256 : i32
      %mul3A_199 = arith.muli %scan3A_93, %mul3A_198 : i32
      %add3A_200 = arith.constant 128 : i32
      %add3A_201 = arith.addi %mul3A_199, %add3A_200 : i32
      %get3A_202 = arith.index_cast %add3A_201 : i32 to index
      %get3A_203 = tpu.vector_load %arg6[%get3A_202] {strides = array<i32>} : memref<2048xf32, #tpu.memory_space<vmem>>, vector<16xf32>,
      %get3A_204 = vector.shape_cast %get3A_203 : vector<16xf32> to vector<16xf32>
      %sub3A_205 = arith.constant 5.000000e-01 : f32
      %sub3A_206 = vector.broadcast %sub3A_205 : f32 to vector<16xf32>
      %sub3A_207 = arith.subf %get3A_204, %sub3A_206 : vector<16xf32>
      %mul3A_208 = arith.mulf %sub3A_207, %sub3A_207 : vector<16xf32>
      %add3A_209 = arith.addf %add3A_113, %mul3A_208 : vector<16xf32>
      %mul3A_210 = arith.constant 256 : i32
      %mul3A_211 = arith.muli %scan3A_93, %mul3A_210 : i32
      %add3A_212 = arith.constant 144 : i32
      %add3A_213 = arith.addi %mul3A_211, %add3A_212 : i32
      %get3A_214 = arith.index_cast %add3A_213 : i32 to index
      %get3A_215 = tpu.vector_load %arg6[%get3A_214] {strides = array<i32>} : memref<2048xf32, #tpu.memory_space<vmem>>, vector<16xf32>,
      %get3A_216 = vector.shape_cast %get3A_215 : vector<16xf32> to vector<16xf32>
      %sub3A_217 = arith.constant 5.000000e-01 : f32
      %sub3A_218 = vector.broadcast %sub3A_217 : f32 to vector<16xf32>
      %sub3A_219 = arith.subf %get3A_216, %sub3A_218 : vector<16xf32>
      %mul3A_220 = arith.mulf %sub3A_219, %sub3A_219 : vector<16xf32>
      %add3A_221 = arith.addf %add3A_125, %mul3A_220 : vector<16xf32>
      %mul3A_222 = arith.constant 256 : i32
      %mul3A_223 = arith.muli %scan3A_93, %mul3A_222 : i32
      %add3A_224 = arith.constant 160 : i32
      %add3A_225 = arith.addi %mul3A_223, %add3A_224 : i32
      %get3A_226 = arith.index_cast %add3A_225 : i32 to index
      %get3A_227 = tpu.vector_load %arg6[%get3A_226] {strides = array<i32>} : memref<2048xf32, #tpu.memory_space<vmem>>, vector<16xf32>,
      %get3A_228 = vector.shape_cast %get3A_227 : vector<16xf32> to vector<16xf32>
      %sub3A_229 = arith.constant 5.000000e-01 : f32
      %sub3A_230 = vector.broadcast %sub3A_229 : f32 to vector<16xf32>
      %sub3A_231 = arith.subf %get3A_228, %sub3A_230 : vector<16xf32>
      %mul3A_232 = arith.mulf %sub3A_231, %sub3A_231 : vector<16xf32>
      %add3A_233 = arith.addf %add3A_137, %mul3A_232 : vector<16xf32>
      %mul3A_234 = arith.constant 256 : i32
      %mul3A_235 = arith.muli %scan3A_93, %mul3A_234 : i32
      %add3A_236 = arith.constant 176 : i32
      %add3A_237 = arith.addi %mul3A_235, %add3A_236 : i32
      %get3A_238 = arith.index_cast %add3A_237 : i32 to index
      %get3A_239 = tpu.vector_load %arg6[%get3A_238] {strides = array<i32>} : memref<2048xf32, #tpu.memory_space<vmem>>, vector<16xf32>,
      %get3A_240 = vector.shape_cast %get3A_239 : vector<16xf32> to vector<16xf32>
      %sub3A_241 = arith.constant 5.000000e-01 : f32
      %sub3A_242 = vector.broadcast %sub3A_241 : f32 to vector<16xf32>
      %sub3A_243 = arith.subf %get3A_240, %sub3A_242 : vector<16xf32>
      %mul3A_244 = arith.mulf %sub3A_243, %sub3A_243 : vector<16xf32>
      %add3A_245 = arith.addf %add3A_149, %mul3A_244 : vector<16xf32>
      %mul3A_246 = arith.constant 256 : i32
      %mul3A_247 = arith.muli %scan3A_93, %mul3A_246 : i32
      %add3A_248 = arith.constant 192 : i32
      %add3A_249 = arith.addi %mul3A_247, %add3A_248 : i32
      %get3A_250 = arith.index_cast %add3A_249 : i32 to index
      %get3A_251 = tpu.vector_load %arg6[%get3A_250] {strides = array<i32>} : memref<2048xf32, #tpu.memory_space<vmem>>, vector<16xf32>,
      %get3A_252 = vector.shape_cast %get3A_251 : vector<16xf32> to vector<16xf32>
      %sub3A_253 = arith.constant 5.000000e-01 : f32
      %sub3A_254 = vector.broadcast %sub3A_253 : f32 to vector<16xf32>
      %sub3A_255 = arith.subf %get3A_252, %sub3A_254 : vector<16xf32>
      %mul3A_256 = arith.mulf %sub3A_255, %sub3A_255 : vector<16xf32>
      %add3A_257 = arith.addf %add3A_161, %mul3A_256 : vector<16xf32>
      %mul3A_258 = arith.constant 256 : i32
      %mul3A_259 = arith.muli %scan3A_93, %mul3A_258 : i32
      %add3A_260 = arith.constant 208 : i32
      %add3A_261 = arith.addi %mul3A_259, %add3A_260 : i32
      %get3A_262 = arith.index_cast %add3A_261 : i32 to index
      %get3A_263 = tpu.vector_load %arg6[%get3A_262] {strides = array<i32>} : memref<2048xf32, #tpu.memory_space<vmem>>, vector<16xf32>,
      %get3A_264 = vector.shape_cast %get3A_263 : vector<16xf32> to vector<16xf32>
      %sub3A_265 = arith.constant 5.000000e-01 : f32
      %sub3A_266 = vector.broadcast %sub3A_265 : f32 to vector<16xf32>
      %sub3A_267 = arith.subf %get3A_264, %sub3A_266 : vector<16xf32>
      %mul3A_268 = arith.mulf %sub3A_267, %sub3A_267 : vector<16xf32>
      %add3A_269 = arith.addf %add3A_173, %mul3A_268 : vector<16xf32>
      %mul3A_270 = arith.constant 256 : i32
      %mul3A_271 = arith.muli %scan3A_93, %mul3A_270 : i32
      %add3A_272 = arith.constant 224 : i32
      %add3A_273 = arith.addi %mul3A_271, %add3A_272 : i32
      %get3A_274 = arith.index_cast %add3A_273 : i32 to index
      %get3A_275 = tpu.vector_load %arg6[%get3A_274] {strides = array<i32>} : memref<2048xf32, #tpu.memory_space<vmem>>, vector<16xf32>,
      %get3A_276 = vector.shape_cast %get3A_275 : vector<16xf32> to vector<16xf32>
      %sub3A_277 = arith.constant 5.000000e-01 : f32
      %sub3A_278 = vector.broadcast %sub3A_277 : f32 to vector<16xf32>
      %sub3A_279 = arith.subf %get3A_276, %sub3A_278 : vector<16xf32>
      %mul3A_280 = arith.mulf %sub3A_279, %sub3A_279 : vector<16xf32>
      %add3A_281 = arith.addf %add3A_185, %mul3A_280 : vector<16xf32>
      %mul3A_282 = arith.constant 256 : i32
      %mul3A_283 = arith.muli %scan3A_93, %mul3A_282 : i32
      %add3A_284 = arith.constant 240 : i32
      %add3A_285 = arith.addi %mul3A_283, %add3A_284 : i32
      %get3A_286 = arith.index_cast %add3A_285 : i32 to index
      %get3A_287 = tpu.vector_load %arg6[%get3A_286] {strides = array<i32>} : memref<2048xf32, #tpu.memory_space<vmem>>, vector<16xf32>,
      %get3A_288 = vector.shape_cast %get3A_287 : vector<16xf32> to vector<16xf32>
      %sub3A_289 = arith.constant 5.000000e-01 : f32
      %sub3A_290 = vector.broadcast %sub3A_289 : f32 to vector<16xf32>
      %sub3A_291 = arith.subf %get3A_288, %sub3A_290 : vector<16xf32>
      %mul3A_292 = arith.mulf %sub3A_291, %sub3A_291 : vector<16xf32>
      %add3A_293 = arith.addf %add3A_197, %mul3A_292 : vector<16xf32>
      scf.yield %add3A_209, %add3A_221, %add3A_233, %add3A_245, %add3A_257, %add3A_269, %add3A_281, %add3A_293 : vector<16xf32>, vector<16xf32>, vector<16xf32>, vector<16xf32>, vector<16xf32>, vector<16xf32>, vector<16xf32>, vector<16xf32>
    }
    %scan3A_65 = arith.constant 4 : i32
    %dma_wait3A_66 = arith.constant 1024 : i32
    %dma_wait3A_67 = tpu.memref_slice %arg6[%dma_wait3A_66] : memref<2048xf32, #tpu.memory_space<vmem>> -> memref<1024xf32, #tpu.memory_space<vmem>>
    %dma_wait3A_68 = tpu.memref_slice %arg2[%add3A_8] : memref<32768xf32, #tpu.memory_space<hbm>> -> memref<1024xf32, #tpu.memory_space<hbm>>
    %dma_wait3A_69 = arith.constant 1024 : i32
    %dma_wait3A_70 = tpu.memref_slice %arg6[%dma_wait3A_69] : memref<2048xf32, #tpu.memory_space<vmem>> -> memref<1024xf32, #tpu.memory_space<vmem>>
    %dma_wait3A_71 = tpu.memref_slice %arg2[%add3A_8] : memref<32768xf32, #tpu.memory_space<hbm>> -> memref<1024xf32, #tpu.memory_space<hbm>>
    tpu.wait_dma2 semaphore(%arg13 : memref<!tpu.dma_semaphore, #tpu.memory_space<semaphore_mem>>) src(%dma_wait3A_71 : memref<1024xf32, #tpu.memory_space<hbm>>) dst(%dma_wait3A_70 : memref<1024xf32, #tpu.memory_space<vmem>>)
    %scan3A_72 = arith.constant 4 : i32
    %scan3A_73 = arith.constant 4 : i32
    %scan3A_74 = arith.addi %scan3A_72, %scan3A_73 : i32
    %scan3A_75 = arith.constant 1 : i32
    %scan3A_76:8 = scf.for %scan3A_93 = %scan3A_72 to %scan3A_74 step %scan3A_75 iter_args(%scan3A_94 = %scan3A_64#0, %scan3A_95 = %scan3A_64#1, %scan3A_96 = %scan3A_64#2, %scan3A_97 = %scan3A_64#3, %scan3A_98 = %scan3A_64#4, %scan3A_99 = %scan3A_64#5, %scan3A_100 = %scan3A_64#6, %scan3A_101 = %scan3A_64#7) -> (vector<16xf32>, vector<16xf32>, vector<16xf32>, vector<16xf32>, vector<16xf32>, vector<16xf32>, vector<16xf32>, vector<16xf32>)  : i32 {
      %mul3A_102 = arith.constant 256 : i32
      %mul3A_103 = arith.muli %scan3A_93, %mul3A_102 : i32
      %add3A_104 = arith.constant 0 : i32
      %add3A_105 = arith.addi %mul3A_103, %add3A_104 : i32
      %get3A_106 = arith.index_cast %add3A_105 : i32 to index
      %get3A_107 = tpu.vector_load %arg6[%get3A_106] {strides = array<i32>} : memref<2048xf32, #tpu.memory_space<vmem>>, vector<16xf32>,
      %get3A_108 = vector.shape_cast %get3A_107 : vector<16xf32> to vector<16xf32>
      %sub3A_109 = arith.constant 5.000000e-01 : f32
      %sub3A_110 = vector.broadcast %sub3A_109 : f32 to vector<16xf32>
      %sub3A_111 = arith.subf %get3A_108, %sub3A_110 : vector<16xf32>
      %mul3A_112 = arith.mulf %sub3A_111, %sub3A_111 : vector<16xf32>
      %add3A_113 = arith.addf %scan3A_94, %mul3A_112 : vector<16xf32>
      %mul3A_114 = arith.constant 256 : i32
      %mul3A_115 = arith.muli %scan3A_93, %mul3A_114 : i32
      %add3A_116 = arith.constant 16 : i32
      %add3A_117 = arith.addi %mul3A_115, %add3A_116 : i32
      %get3A_118 = arith.index_cast %add3A_117 : i32 to index
      %get3A_119 = tpu.vector_load %arg6[%get3A_118] {strides = array<i32>} : memref<2048xf32, #tpu.memory_space<vmem>>, vector<16xf32>,
      %get3A_120 = vector.shape_cast %get3A_119 : vector<16xf32> to vector<16xf32>
      %sub3A_121 = arith.constant 5.000000e-01 : f32
      %sub3A_122 = vector.broadcast %sub3A_121 : f32 to vector<16xf32>
      %sub3A_123 = arith.subf %get3A_120, %sub3A_122 : vector<16xf32>
      %mul3A_124 = arith.mulf %sub3A_123, %sub3A_123 : vector<16xf32>
      %add3A_125 = arith.addf %scan3A_95, %mul3A_124 : vector<16xf32>
      %mul3A_126 = arith.constant 256 : i32
      %mul3A_127 = arith.muli %scan3A_93, %mul3A_126 : i32
      %add3A_128 = arith.constant 32 : i32
      %add3A_129 = arith.addi %mul3A_127, %add3A_128 : i32
      %get3A_130 = arith.index_cast %add3A_129 : i32 to index
      %get3A_131 = tpu.vector_load %arg6[%get3A_130] {strides = array<i32>} : memref<2048xf32, #tpu.memory_space<vmem>>, vector<16xf32>,
      %get3A_132 = vector.shape_cast %get3A_131 : vector<16xf32> to vector<16xf32>
      %sub3A_133 = arith.constant 5.000000e-01 : f32
      %sub3A_134 = vector.broadcast %sub3A_133 : f32 to vector<16xf32>
      %sub3A_135 = arith.subf %get3A_132, %sub3A_134 : vector<16xf32>
      %mul3A_136 = arith.mulf %sub3A_135, %sub3A_135 : vector<16xf32>
      %add3A_137 = arith.addf %scan3A_96, %mul3A_136 : vector<16xf32>
      %mul3A_138 = arith.constant 256 : i32
      %mul3A_139 = arith.muli %scan3A_93, %mul3A_138 : i32
      %add3A_140 = arith.constant 48 : i32
      %add3A_141 = arith.addi %mul3A_139, %add3A_140 : i32
      %get3A_142 = arith.index_cast %add3A_141 : i32 to index
      %get3A_143 = tpu.vector_load %arg6[%get3A_142] {strides = array<i32>} : memref<2048xf32, #tpu.memory_space<vmem>>, vector<16xf32>,
      %get3A_144 = vector.shape_cast %get3A_143 : vector<16xf32> to vector<16xf32>
      %sub3A_145 = arith.constant 5.000000e-01 : f32
      %sub3A_146 = vector.broadcast %sub3A_145 : f32 to vector<16xf32>
      %sub3A_147 = arith.subf %get3A_144, %sub3A_146 : vector<16xf32>
      %mul3A_148 = arith.mulf %sub3A_147, %sub3A_147 : vector<16xf32>
      %add3A_149 = arith.addf %scan3A_97, %mul3A_148 : vector<16xf32>
      %mul3A_150 = arith.constant 256 : i32
      %mul3A_151 = arith.muli %scan3A_93, %mul3A_150 : i32
      %add3A_152 = arith.constant 64 : i32
      %add3A_153 = arith.addi %mul3A_151, %add3A_152 : i32
      %get3A_154 = arith.index_cast %add3A_153 : i32 to index
      %get3A_155 = tpu.vector_load %arg6[%get3A_154] {strides = array<i32>} : memref<2048xf32, #tpu.memory_space<vmem>>, vector<16xf32>,
      %get3A_156 = vector.shape_cast %get3A_155 : vector<16xf32> to vector<16xf32>
      %sub3A_157 = arith.constant 5.000000e-01 : f32
      %sub3A_158 = vector.broadcast %sub3A_157 : f32 to vector<16xf32>
      %sub3A_159 = arith.subf %get3A_156, %sub3A_158 : vector<16xf32>
      %mul3A_160 = arith.mulf %sub3A_159, %sub3A_159 : vector<16xf32>
      %add3A_161 = arith.addf %scan3A_98, %mul3A_160 : vector<16xf32>
      %mul3A_162 = arith.constant 256 : i32
      %mul3A_163 = arith.muli %scan3A_93, %mul3A_162 : i32
      %add3A_164 = arith.constant 80 : i32
      %add3A_165 = arith.addi %mul3A_163, %add3A_164 : i32
      %get3A_166 = arith.index_cast %add3A_165 : i32 to index
      %get3A_167 = tpu.vector_load %arg6[%get3A_166] {strides = array<i32>} : memref<2048xf32, #tpu.memory_space<vmem>>, vector<16xf32>,
      %get3A_168 = vector.shape_cast %get3A_167 : vector<16xf32> to vector<16xf32>
      %sub3A_169 = arith.constant 5.000000e-01 : f32
      %sub3A_170 = vector.broadcast %sub3A_169 : f32 to vector<16xf32>
      %sub3A_171 = arith.subf %get3A_168, %sub3A_170 : vector<16xf32>
      %mul3A_172 = arith.mulf %sub3A_171, %sub3A_171 : vector<16xf32>
      %add3A_173 = arith.addf %scan3A_99, %mul3A_172 : vector<16xf32>
      %mul3A_174 = arith.constant 256 : i32
      %mul3A_175 = arith.muli %scan3A_93, %mul3A_174 : i32
      %add3A_176 = arith.constant 96 : i32
      %add3A_177 = arith.addi %mul3A_175, %add3A_176 : i32
      %get3A_178 = arith.index_cast %add3A_177 : i32 to index
      %get3A_179 = tpu.vector_load %arg6[%get3A_178] {strides = array<i32>} : memref<2048xf32, #tpu.memory_space<vmem>>, vector<16xf32>,
      %get3A_180 = vector.shape_cast %get3A_179 : vector<16xf32> to vector<16xf32>
      %sub3A_181 = arith.constant 5.000000e-01 : f32
      %sub3A_182 = vector.broadcast %sub3A_181 : f32 to vector<16xf32>
      %sub3A_183 = arith.subf %get3A_180, %sub3A_182 : vector<16xf32>
      %mul3A_184 = arith.mulf %sub3A_183, %sub3A_183 : vector<16xf32>
      %add3A_185 = arith.addf %scan3A_100, %mul3A_184 : vector<16xf32>
      %mul3A_186 = arith.constant 256 : i32
      %mul3A_187 = arith.muli %scan3A_93, %mul3A_186 : i32
      %add3A_188 = arith.constant 112 : i32
      %add3A_189 = arith.addi %mul3A_187, %add3A_188 : i32
      %get3A_190 = arith.index_cast %add3A_189 : i32 to index
      %get3A_191 = tpu.vector_load %arg6[%get3A_190] {strides = array<i32>} : memref<2048xf32, #tpu.memory_space<vmem>>, vector<16xf32>,
      %get3A_192 = vector.shape_cast %get3A_191 : vector<16xf32> to vector<16xf32>
      %sub3A_193 = arith.constant 5.000000e-01 : f32
      %sub3A_194 = vector.broadcast %sub3A_193 : f32 to vector<16xf32>
      %sub3A_195 = arith.subf %get3A_192, %sub3A_194 : vector<16xf32>
      %mul3A_196 = arith.mulf %sub3A_195, %sub3A_195 : vector<16xf32>
      %add3A_197 = arith.addf %scan3A_101, %mul3A_196 : vector<16xf32>
      %mul3A_198 = arith.constant 256 : i32
      %mul3A_199 = arith.muli %scan3A_93, %mul3A_198 : i32
      %add3A_200 = arith.constant 128 : i32
      %add3A_201 = arith.addi %mul3A_199, %add3A_200 : i32
      %get3A_202 = arith.index_cast %add3A_201 : i32 to index
      %get3A_203 = tpu.vector_load %arg6[%get3A_202] {strides = array<i32>} : memref<2048xf32, #tpu.memory_space<vmem>>, vector<16xf32>,
      %get3A_204 = vector.shape_cast %get3A_203 : vector<16xf32> to vector<16xf32>
      %sub3A_205 = arith.constant 5.000000e-01 : f32
      %sub3A_206 = vector.broadcast %sub3A_205 : f32 to vector<16xf32>
      %sub3A_207 = arith.subf %get3A_204, %sub3A_206 : vector<16xf32>
      %mul3A_208 = arith.mulf %sub3A_207, %sub3A_207 : vector<16xf32>
      %add3A_209 = arith.addf %add3A_113, %mul3A_208 : vector<16xf32>
      %mul3A_210 = arith.constant 256 : i32
      %mul3A_211 = arith.muli %scan3A_93, %mul3A_210 : i32
      %add3A_212 = arith.constant 144 : i32
      %add3A_213 = arith.addi %mul3A_211, %add3A_212 : i32
      %get3A_214 = arith.index_cast %add3A_213 : i32 to index
      %get3A_215 = tpu.vector_load %arg6[%get3A_214] {strides = array<i32>} : memref<2048xf32, #tpu.memory_space<vmem>>, vector<16xf32>,
      %get3A_216 = vector.shape_cast %get3A_215 : vector<16xf32> to vector<16xf32>
      %sub3A_217 = arith.constant 5.000000e-01 : f32
      %sub3A_218 = vector.broadcast %sub3A_217 : f32 to vector<16xf32>
      %sub3A_219 = arith.subf %get3A_216, %sub3A_218 : vector<16xf32>
      %mul3A_220 = arith.mulf %sub3A_219, %sub3A_219 : vector<16xf32>
      %add3A_221 = arith.addf %add3A_125, %mul3A_220 : vector<16xf32>
      %mul3A_222 = arith.constant 256 : i32
      %mul3A_223 = arith.muli %scan3A_93, %mul3A_222 : i32
      %add3A_224 = arith.constant 160 : i32
      %add3A_225 = arith.addi %mul3A_223, %add3A_224 : i32
      %get3A_226 = arith.index_cast %add3A_225 : i32 to index
      %get3A_227 = tpu.vector_load %arg6[%get3A_226] {strides = array<i32>} : memref<2048xf32, #tpu.memory_space<vmem>>, vector<16xf32>,
      %get3A_228 = vector.shape_cast %get3A_227 : vector<16xf32> to vector<16xf32>
      %sub3A_229 = arith.constant 5.000000e-01 : f32
      %sub3A_230 = vector.broadcast %sub3A_229 : f32 to vector<16xf32>
      %sub3A_231 = arith.subf %get3A_228, %sub3A_230 : vector<16xf32>
      %mul3A_232 = arith.mulf %sub3A_231, %sub3A_231 : vector<16xf32>
      %add3A_233 = arith.addf %add3A_137, %mul3A_232 : vector<16xf32>
      %mul3A_234 = arith.constant 256 : i32
      %mul3A_235 = arith.muli %scan3A_93, %mul3A_234 : i32
      %add3A_236 = arith.constant 176 : i32
      %add3A_237 = arith.addi %mul3A_235, %add3A_236 : i32
      %get3A_238 = arith.index_cast %add3A_237 : i32 to index
      %get3A_239 = tpu.vector_load %arg6[%get3A_238] {strides = array<i32>} : memref<2048xf32, #tpu.memory_space<vmem>>, vector<16xf32>,
      %get3A_240 = vector.shape_cast %get3A_239 : vector<16xf32> to vector<16xf32>
      %sub3A_241 = arith.constant 5.000000e-01 : f32
      %sub3A_242 = vector.broadcast %sub3A_241 : f32 to vector<16xf32>
      %sub3A_243 = arith.subf %get3A_240, %sub3A_242 : vector<16xf32>
      %mul3A_244 = arith.mulf %sub3A_243, %sub3A_243 : vector<16xf32>
      %add3A_245 = arith.addf %add3A_149, %mul3A_244 : vector<16xf32>
      %mul3A_246 = arith.constant 256 : i32
      %mul3A_247 = arith.muli %scan3A_93, %mul3A_246 : i32
      %add3A_248 = arith.constant 192 : i32
      %add3A_249 = arith.addi %mul3A_247, %add3A_248 : i32
      %get3A_250 = arith.index_cast %add3A_249 : i32 to index
      %get3A_251 = tpu.vector_load %arg6[%get3A_250] {strides = array<i32>} : memref<2048xf32, #tpu.memory_space<vmem>>, vector<16xf32>,
      %get3A_252 = vector.shape_cast %get3A_251 : vector<16xf32> to vector<16xf32>
      %sub3A_253 = arith.constant 5.000000e-01 : f32
      %sub3A_254 = vector.broadcast %sub3A_253 : f32 to vector<16xf32>
      %sub3A_255 = arith.subf %get3A_252, %sub3A_254 : vector<16xf32>
      %mul3A_256 = arith.mulf %sub3A_255, %sub3A_255 : vector<16xf32>
      %add3A_257 = arith.addf %add3A_161, %mul3A_256 : vector<16xf32>
      %mul3A_258 = arith.constant 256 : i32
      %mul3A_259 = arith.muli %scan3A_93, %mul3A_258 : i32
      %add3A_260 = arith.constant 208 : i32
      %add3A_261 = arith.addi %mul3A_259, %add3A_260 : i32
      %get3A_262 = arith.index_cast %add3A_261 : i32 to index
      %get3A_263 = tpu.vector_load %arg6[%get3A_262] {strides = array<i32>} : memref<2048xf32, #tpu.memory_space<vmem>>, vector<16xf32>,
      %get3A_264 = vector.shape_cast %get3A_263 : vector<16xf32> to vector<16xf32>
      %sub3A_265 = arith.constant 5.000000e-01 : f32
      %sub3A_266 = vector.broadcast %sub3A_265 : f32 to vector<16xf32>
      %sub3A_267 = arith.subf %get3A_264, %sub3A_266 : vector<16xf32>
      %mul3A_268 = arith.mulf %sub3A_267, %sub3A_267 : vector<16xf32>
      %add3A_269 = arith.addf %add3A_173, %mul3A_268 : vector<16xf32>
      %mul3A_270 = arith.constant 256 : i32
      %mul3A_271 = arith.muli %scan3A_93, %mul3A_270 : i32
      %add3A_272 = arith.constant 224 : i32
      %add3A_273 = arith.addi %mul3A_271, %add3A_272 : i32
      %get3A_274 = arith.index_cast %add3A_273 : i32 to index
      %get3A_275 = tpu.vector_load %arg6[%get3A_274] {strides = array<i32>} : memref<2048xf32, #tpu.memory_space<vmem>>, vector<16xf32>,
      %get3A_276 = vector.shape_cast %get3A_275 : vector<16xf32> to vector<16xf32>
      %sub3A_277 = arith.constant 5.000000e-01 : f32
      %sub3A_278 = vector.broadcast %sub3A_277 : f32 to vector<16xf32>
      %sub3A_279 = arith.subf %get3A_276, %sub3A_278 : vector<16xf32>
      %mul3A_280 = arith.mulf %sub3A_279, %sub3A_279 : vector<16xf32>
      %add3A_281 = arith.addf %add3A_185, %mul3A_280 : vector<16xf32>
      %mul3A_282 = arith.constant 256 : i32
      %mul3A_283 = arith.muli %scan3A_93, %mul3A_282 : i32
      %add3A_284 = arith.constant 240 : i32
      %add3A_285 = arith.addi %mul3A_283, %add3A_284 : i32
      %get3A_286 = arith.index_cast %add3A_285 : i32 to index
      %get3A_287 = tpu.vector_load %arg6[%get3A_286] {strides = array<i32>} : memref<2048xf32, #tpu.memory_space<vmem>>, vector<16xf32>,
      %get3A_288 = vector.shape_cast %get3A_287 : vector<16xf32> to vector<16xf32>
      %sub3A_289 = arith.constant 5.000000e-01 : f32
      %sub3A_290 = vector.broadcast %sub3A_289 : f32 to vector<16xf32>
      %sub3A_291 = arith.subf %get3A_288, %sub3A_290 : vector<16xf32>
      %mul3A_292 = arith.mulf %sub3A_291, %sub3A_291 : vector<16xf32>
      %add3A_293 = arith.addf %add3A_197, %mul3A_292 : vector<16xf32>
      scf.yield %add3A_209, %add3A_221, %add3A_233, %add3A_245, %add3A_257, %add3A_269, %add3A_281, %add3A_293 : vector<16xf32>, vector<16xf32>, vector<16xf32>, vector<16xf32>, vector<16xf32>, vector<16xf32>, vector<16xf32>, vector<16xf32>
    }
    %scan3A_77 = arith.constant 4 : i32
    %add3A_78 = arith.addf %scan3A_76#0, %scan3A_76#1 : vector<16xf32>
    %add3A_79 = arith.addf %scan3A_76#2, %scan3A_76#3 : vector<16xf32>
    %add3A_80 = arith.addf %scan3A_76#4, %scan3A_76#5 : vector<16xf32>
    %add3A_81 = arith.addf %scan3A_76#6, %scan3A_76#7 : vector<16xf32>
    %add3A_82 = arith.addf %add3A_78, %add3A_79 : vector<16xf32>
    %add3A_83 = arith.addf %add3A_80, %add3A_81 : vector<16xf32>
    %add3A_84 = arith.addf %add3A_82, %add3A_83 : vector<16xf32>
    %mul3A_85 = arith.mulf %add3A_84, %gather3A_39 : vector<16xf32>
    %ne3A = arith.constant 0 : i32
    %ne3A_86 = arith.cmpi ne, %arg1, %ne3A : i32
    %convert_element_type3A_87 = arith.extui %ne3A_86 : i1 to i32
    %cond3A = arith.constant 0 : i32
    %cond3A_88 = arith.cmpi ne, %convert_element_type3A_87, %cond3A : i32
    scf.if %cond3A_88 {
      %swap3A = arith.constant 0 : index
      %swap3A_93 = tpu.vector_load %arg7[%swap3A] {strides = array<i32>} : memref<16xf32, #tpu.memory_space<vmem>>, vector<16xf32>,
      %swap3A_94 = vector.shape_cast %swap3A_93 : vector<16xf32> to vector<16xf32>
      %swap3A_95 = vector.shape_cast %mul3A_85 : vector<16xf32> to vector<16xf32>
      tpu.vector_store %arg7[%swap3A], %swap3A_95 {strides = array<i32>} : memref<16xf32, #tpu.memory_space<vmem>>, vector<16xf32>,
      %mul3A_96 = arith.constant 16 : i32
      %mul3A_97 = arith.muli %arg1, %mul3A_96 : i32
      "tpu.region"() ({
        %run_scoped3A = tpu.sem_alloc : memref<!tpu.dma_semaphore, #tpu.memory_space<semaphore_mem>>
        %dma_start3A_98 = tpu.memref_slice %arg11[%mul3A_97] : memref<256xf32, #tpu.memory_space<vmem_shared>> -> memref<16xf32, #tpu.memory_space<vmem_shared>>
        %dma_start3A_99 = tpu.memref_slice %arg11[%mul3A_97] : memref<256xf32, #tpu.memory_space<vmem_shared>> -> memref<16xf32, #tpu.memory_space<vmem_shared>>
        tpu.enqueue_dma source(%arg7 : memref<16xf32, #tpu.memory_space<vmem>>) target(%dma_start3A_99 : memref<16xf32, #tpu.memory_space<vmem_shared>>) target_semaphore(%run_scoped3A : memref<!tpu.dma_semaphore, #tpu.memory_space<semaphore_mem>>)
        %dma_wait3A_100 = tpu.memref_slice %arg11[%mul3A_97] : memref<256xf32, #tpu.memory_space<vmem_shared>> -> memref<16xf32, #tpu.memory_space<vmem_shared>>
        %dma_wait3A_101 = tpu.memref_slice %arg11[%mul3A_97] : memref<256xf32, #tpu.memory_space<vmem_shared>> -> memref<16xf32, #tpu.memory_space<vmem_shared>>
        tpu.wait_dma2 semaphore(%run_scoped3A : memref<!tpu.dma_semaphore, #tpu.memory_space<semaphore_mem>>) src(%arg7 : memref<16xf32, #tpu.memory_space<vmem>>) dst(%dma_wait3A_101 : memref<16xf32, #tpu.memory_space<vmem_shared>>)
        tpu.yield
      }) : () -> ()
    } else {
    }
    %barrier3A = arith.constant 0 : index
    tpu.barrier barrier_id(%barrier3A)
    %eq3A = arith.constant 0 : i32
    %eq3A_89 = arith.cmpi eq, %arg1, %eq3A : i32
    %convert_element_type3A_90 = arith.extui %eq3A_89 : i1 to i32
    %cond3A_91 = arith.constant 0 : i32
    %cond3A_92 = arith.cmpi ne, %convert_element_type3A_90, %cond3A_91 : i32
    scf.if %cond3A_92 {
      "tpu.region"() ({
        %run_scoped3A = tpu.sem_alloc : memref<!tpu.dma_semaphore, #tpu.memory_space<semaphore_mem>>
        %dma_start3A_211 = arith.constant 16 : i32
        %dma_start3A_212 = tpu.memref_slice %arg11[%dma_start3A_211] : memref<256xf32, #tpu.memory_space<vmem_shared>> -> memref<240xf32, #tpu.memory_space<vmem_shared>>
        %dma_start3A_213 = arith.constant 16 : i32
        %dma_start3A_214 = tpu.memref_slice %arg11[%dma_start3A_213] : memref<256xf32, #tpu.memory_space<vmem_shared>> -> memref<240xf32, #tpu.memory_space<vmem_shared>>
        tpu.enqueue_dma source(%dma_start3A_214 : memref<240xf32, #tpu.memory_space<vmem_shared>>) target(%arg8 : memref<240xf32, #tpu.memory_space<vmem>>) target_semaphore(%run_scoped3A : memref<!tpu.dma_semaphore, #tpu.memory_space<semaphore_mem>>)
        %dma_wait3A_215 = arith.constant 16 : i32
        %dma_wait3A_216 = tpu.memref_slice %arg11[%dma_wait3A_215] : memref<256xf32, #tpu.memory_space<vmem_shared>> -> memref<240xf32, #tpu.memory_space<vmem_shared>>
        %dma_wait3A_217 = arith.constant 16 : i32
        %dma_wait3A_218 = tpu.memref_slice %arg11[%dma_wait3A_217] : memref<256xf32, #tpu.memory_space<vmem_shared>> -> memref<240xf32, #tpu.memory_space<vmem_shared>>
        tpu.wait_dma2 semaphore(%run_scoped3A : memref<!tpu.dma_semaphore, #tpu.memory_space<semaphore_mem>>) src(%dma_wait3A_218 : memref<240xf32, #tpu.memory_space<vmem_shared>>) dst(%arg8 : memref<240xf32, #tpu.memory_space<vmem>>)
        tpu.yield
      }) : () -> ()
      %get3A_93 = arith.constant 0 : index
      %get3A_94 = tpu.vector_load %arg8[%get3A_93] {strides = array<i32>} : memref<240xf32, #tpu.memory_space<vmem>>, vector<16xf32>,
      %get3A_95 = vector.shape_cast %get3A_94 : vector<16xf32> to vector<16xf32>
      %add3A_96 = arith.addf %mul3A_85, %get3A_95 : vector<16xf32>
      %get3A_97 = arith.constant 16 : index
      %get3A_98 = tpu.vector_load %arg8[%get3A_97] {strides = array<i32>} : memref<240xf32, #tpu.memory_space<vmem>>, vector<16xf32>,
      %get3A_99 = vector.shape_cast %get3A_98 : vector<16xf32> to vector<16xf32>
      %add3A_100 = arith.addf %add3A_96, %get3A_99 : vector<16xf32>
      %get3A_101 = arith.constant 32 : index
      %get3A_102 = tpu.vector_load %arg8[%get3A_101] {strides = array<i32>} : memref<240xf32, #tpu.memory_space<vmem>>, vector<16xf32>,
      %get3A_103 = vector.shape_cast %get3A_102 : vector<16xf32> to vector<16xf32>
      %add3A_104 = arith.addf %add3A_100, %get3A_103 : vector<16xf32>
      %get3A_105 = arith.constant 48 : index
      %get3A_106 = tpu.vector_load %arg8[%get3A_105] {strides = array<i32>} : memref<240xf32, #tpu.memory_space<vmem>>, vector<16xf32>,
      %get3A_107 = vector.shape_cast %get3A_106 : vector<16xf32> to vector<16xf32>
      %add3A_108 = arith.addf %add3A_104, %get3A_107 : vector<16xf32>
      %get3A_109 = arith.constant 64 : index
      %get3A_110 = tpu.vector_load %arg8[%get3A_109] {strides = array<i32>} : memref<240xf32, #tpu.memory_space<vmem>>, vector<16xf32>,
      %get3A_111 = vector.shape_cast %get3A_110 : vector<16xf32> to vector<16xf32>
      %add3A_112 = arith.addf %add3A_108, %get3A_111 : vector<16xf32>
      %get3A_113 = arith.constant 80 : index
      %get3A_114 = tpu.vector_load %arg8[%get3A_113] {strides = array<i32>} : memref<240xf32, #tpu.memory_space<vmem>>, vector<16xf32>,
      %get3A_115 = vector.shape_cast %get3A_114 : vector<16xf32> to vector<16xf32>
      %add3A_116 = arith.addf %add3A_112, %get3A_115 : vector<16xf32>
      %get3A_117 = arith.constant 96 : index
      %get3A_118 = tpu.vector_load %arg8[%get3A_117] {strides = array<i32>} : memref<240xf32, #tpu.memory_space<vmem>>, vector<16xf32>,
      %get3A_119 = vector.shape_cast %get3A_118 : vector<16xf32> to vector<16xf32>
      %add3A_120 = arith.addf %add3A_116, %get3A_119 : vector<16xf32>
      %get3A_121 = arith.constant 112 : index
      %get3A_122 = tpu.vector_load %arg8[%get3A_121] {strides = array<i32>} : memref<240xf32, #tpu.memory_space<vmem>>, vector<16xf32>,
      %get3A_123 = vector.shape_cast %get3A_122 : vector<16xf32> to vector<16xf32>
      %add3A_124 = arith.addf %add3A_120, %get3A_123 : vector<16xf32>
      %get3A_125 = arith.constant 128 : index
      %get3A_126 = tpu.vector_load %arg8[%get3A_125] {strides = array<i32>} : memref<240xf32, #tpu.memory_space<vmem>>, vector<16xf32>,
      %get3A_127 = vector.shape_cast %get3A_126 : vector<16xf32> to vector<16xf32>
      %add3A_128 = arith.addf %add3A_124, %get3A_127 : vector<16xf32>
      %get3A_129 = arith.constant 144 : index
      %get3A_130 = tpu.vector_load %arg8[%get3A_129] {strides = array<i32>} : memref<240xf32, #tpu.memory_space<vmem>>, vector<16xf32>,
      %get3A_131 = vector.shape_cast %get3A_130 : vector<16xf32> to vector<16xf32>
      %add3A_132 = arith.addf %add3A_128, %get3A_131 : vector<16xf32>
      %get3A_133 = arith.constant 160 : index
      %get3A_134 = tpu.vector_load %arg8[%get3A_133] {strides = array<i32>} : memref<240xf32, #tpu.memory_space<vmem>>, vector<16xf32>,
      %get3A_135 = vector.shape_cast %get3A_134 : vector<16xf32> to vector<16xf32>
      %add3A_136 = arith.addf %add3A_132, %get3A_135 : vector<16xf32>
      %get3A_137 = arith.constant 176 : index
      %get3A_138 = tpu.vector_load %arg8[%get3A_137] {strides = array<i32>} : memref<240xf32, #tpu.memory_space<vmem>>, vector<16xf32>,
      %get3A_139 = vector.shape_cast %get3A_138 : vector<16xf32> to vector<16xf32>
      %add3A_140 = arith.addf %add3A_136, %get3A_139 : vector<16xf32>
      %get3A_141 = arith.constant 192 : index
      %get3A_142 = tpu.vector_load %arg8[%get3A_141] {strides = array<i32>} : memref<240xf32, #tpu.memory_space<vmem>>, vector<16xf32>,
      %get3A_143 = vector.shape_cast %get3A_142 : vector<16xf32> to vector<16xf32>
      %add3A_144 = arith.addf %add3A_140, %get3A_143 : vector<16xf32>
      %get3A_145 = arith.constant 208 : index
      %get3A_146 = tpu.vector_load %arg8[%get3A_145] {strides = array<i32>} : memref<240xf32, #tpu.memory_space<vmem>>, vector<16xf32>,
      %get3A_147 = vector.shape_cast %get3A_146 : vector<16xf32> to vector<16xf32>
      %add3A_148 = arith.addf %add3A_144, %get3A_147 : vector<16xf32>
      %get3A_149 = arith.constant 224 : index
      %get3A_150 = tpu.vector_load %arg8[%get3A_149] {strides = array<i32>} : memref<240xf32, #tpu.memory_space<vmem>>, vector<16xf32>,
      %get3A_151 = vector.shape_cast %get3A_150 : vector<16xf32> to vector<16xf32>
      %add3A_152 = arith.addf %add3A_148, %get3A_151 : vector<16xf32>
      %xor3A = arith.constant 8 : i32
      %xor3A_153 = vector.broadcast %xor3A : i32 to vector<16xi32>
      %xor3A_154 = arith.xori %iota3A, %xor3A_153 : vector<16xi32>
      %lt3A_155 = arith.constant 0 : i32
      %lt3A_156 = vector.broadcast %lt3A_155 : i32 to vector<16xi32>
      %lt3A_157 = arith.cmpi slt, %xor3A_154, %lt3A_156 : vector<16xi32>
      %add3A_158 = arith.constant 16 : i32
      %add3A_159 = vector.broadcast %add3A_158 : i32 to vector<16xi32>
      %add3A_160 = arith.addi %xor3A_154, %add3A_159 : vector<16xi32>
      %select_n3A_161 = arith.select %lt3A_157, %add3A_160, %xor3A_154 : vector<16xi1>, vector<16xi32>
      %broadcast_in_dim3A_162 = vector.shape_cast %select_n3A_161 : vector<16xi32> to vector<16x1xi32>
      %gather3A_163 = vector.shape_cast %broadcast_in_dim3A_162 : vector<16x1xi32> to vector<16xi32>
      %gather3A_164 = tpu.dynamic_gather %add3A_152[%gather3A_163] in [0] : vector<16xf32>, vector<16xi32> -> vector<16xf32>
      %add3A_165 = arith.addf %add3A_152, %gather3A_164 : vector<16xf32>
      %xor3A_166 = arith.constant 4 : i32
      %xor3A_167 = vector.broadcast %xor3A_166 : i32 to vector<16xi32>
      %xor3A_168 = arith.xori %iota3A, %xor3A_167 : vector<16xi32>
      %lt3A_169 = arith.constant 0 : i32
      %lt3A_170 = vector.broadcast %lt3A_169 : i32 to vector<16xi32>
      %lt3A_171 = arith.cmpi slt, %xor3A_168, %lt3A_170 : vector<16xi32>
      %add3A_172 = arith.constant 16 : i32
      %add3A_173 = vector.broadcast %add3A_172 : i32 to vector<16xi32>
      %add3A_174 = arith.addi %xor3A_168, %add3A_173 : vector<16xi32>
      %select_n3A_175 = arith.select %lt3A_171, %add3A_174, %xor3A_168 : vector<16xi1>, vector<16xi32>
      %broadcast_in_dim3A_176 = vector.shape_cast %select_n3A_175 : vector<16xi32> to vector<16x1xi32>
      %gather3A_177 = vector.shape_cast %broadcast_in_dim3A_176 : vector<16x1xi32> to vector<16xi32>
      %gather3A_178 = tpu.dynamic_gather %add3A_165[%gather3A_177] in [0] : vector<16xf32>, vector<16xi32> -> vector<16xf32>
      %add3A_179 = arith.addf %add3A_165, %gather3A_178 : vector<16xf32>
      %xor3A_180 = arith.constant 2 : i32
      %xor3A_181 = vector.broadcast %xor3A_180 : i32 to vector<16xi32>
      %xor3A_182 = arith.xori %iota3A, %xor3A_181 : vector<16xi32>
      %lt3A_183 = arith.constant 0 : i32
      %lt3A_184 = vector.broadcast %lt3A_183 : i32 to vector<16xi32>
      %lt3A_185 = arith.cmpi slt, %xor3A_182, %lt3A_184 : vector<16xi32>
      %add3A_186 = arith.constant 16 : i32
      %add3A_187 = vector.broadcast %add3A_186 : i32 to vector<16xi32>
      %add3A_188 = arith.addi %xor3A_182, %add3A_187 : vector<16xi32>
      %select_n3A_189 = arith.select %lt3A_185, %add3A_188, %xor3A_182 : vector<16xi1>, vector<16xi32>
      %broadcast_in_dim3A_190 = vector.shape_cast %select_n3A_189 : vector<16xi32> to vector<16x1xi32>
      %gather3A_191 = vector.shape_cast %broadcast_in_dim3A_190 : vector<16x1xi32> to vector<16xi32>
      %gather3A_192 = tpu.dynamic_gather %add3A_179[%gather3A_191] in [0] : vector<16xf32>, vector<16xi32> -> vector<16xf32>
      %add3A_193 = arith.addf %add3A_179, %gather3A_192 : vector<16xf32>
      %xor3A_194 = arith.constant 1 : i32
      %xor3A_195 = vector.broadcast %xor3A_194 : i32 to vector<16xi32>
      %xor3A_196 = arith.xori %iota3A, %xor3A_195 : vector<16xi32>
      %lt3A_197 = arith.constant 0 : i32
      %lt3A_198 = vector.broadcast %lt3A_197 : i32 to vector<16xi32>
      %lt3A_199 = arith.cmpi slt, %xor3A_196, %lt3A_198 : vector<16xi32>
      %add3A_200 = arith.constant 16 : i32
      %add3A_201 = vector.broadcast %add3A_200 : i32 to vector<16xi32>
      %add3A_202 = arith.addi %xor3A_196, %add3A_201 : vector<16xi32>
      %select_n3A_203 = arith.select %lt3A_199, %add3A_202, %xor3A_196 : vector<16xi1>, vector<16xi32>
      %broadcast_in_dim3A_204 = vector.shape_cast %select_n3A_203 : vector<16xi32> to vector<16x1xi32>
      %gather3A_205 = vector.shape_cast %broadcast_in_dim3A_204 : vector<16x1xi32> to vector<16xi32>
      %gather3A_206 = tpu.dynamic_gather %add3A_193[%gather3A_205] in [0] : vector<16xf32>, vector<16xi32> -> vector<16xf32>
      %add3A_207 = arith.addf %add3A_193, %gather3A_206 : vector<16xf32>
      %swap3A = arith.constant 0 : index
      %swap3A_208 = tpu.vector_load %arg7[%swap3A] {strides = array<i32>} : memref<16xf32, #tpu.memory_space<vmem>>, vector<16xf32>,
      %swap3A_209 = vector.shape_cast %swap3A_208 : vector<16xf32> to vector<16xf32>
      %swap3A_210 = vector.shape_cast %add3A_207 : vector<16xf32> to vector<16xf32>
      tpu.vector_store %arg7[%swap3A], %swap3A_210 {strides = array<i32>} : memref<16xf32, #tpu.memory_space<vmem>>, vector<16xf32>,
      "tpu.region"() ({
        %run_scoped3A = tpu.sem_alloc : memref<!tpu.dma_semaphore, #tpu.memory_space<semaphore_mem>>
        tpu.enqueue_dma source(%arg7 : memref<16xf32, #tpu.memory_space<vmem>>) target(%arg5 : memref<16xf32, #tpu.memory_space<hbm>>) target_semaphore(%run_scoped3A : memref<!tpu.dma_semaphore, #tpu.memory_space<semaphore_mem>>)
        tpu.wait_dma2 semaphore(%run_scoped3A : memref<!tpu.dma_semaphore, #tpu.memory_space<semaphore_mem>>) src(%arg7 : memref<16xf32, #tpu.memory_space<vmem>>) dst(%arg5 : memref<16xf32, #tpu.memory_space<hbm>>)
        tpu.yield
      }) : () -> ()
    } else {
    }
    return
  }
}

</mosaic_0001>

<sc_bundles>
// kernel: kernel.3.cloned.1.call-start
scs
__scs_entry_jumppad:
0x0: {  	(pc) =	sbr.rel $0x88, $3  }
0x1: {  	(tag) =	ssettag $0x0;
	lr =	simm.s32 $0x1  }
0x2: {  	[smem:$0x3F9E] =	sst lr;
	_ =	strace $0xD0000000  }
0x3: {  	_ = 	snop  }
0x4: {  	_ = 	snop  }
0x5: {  	_ = 	snop  }
0x6: {  	_ = 	snop  }
0x7: {  	_ = 	snop  }
__scs_overlays_trampoline_lowered:
0x8: {  	[smem:$0x3FAD] =	sst s0  }
0x9: {  	[smem:$0x3FAE] =	sst s1  }
0xa: {  	[smem:$0x3FAF] =	sst s2  }
0xb: {  	[smem:$0x3FB0] =	sst s3  }
0xc: {  	[smem:$0x3FB1] =	sst s4  }
0xd: {  	[smem:$0x3FB2] =	sst s5  }
0xe: {  	[smem:$0x3FB3] =	sst s6  }
0xf: {  	[smem:$0x3FB4] =	sst s7  }
0x10: {  	[smem:$0x3FB5] =	sst s8  }
0x11: {  	[smem:$0x3FB6] =	sst s9;
	s0 =	simm.s32 @!p0 $0x0  }
0x12: {  	s1 =	sld [smem:$0x3F9C];
	s0 =	simm.s32 @p0 $0x1  }
0x13: {  	[smem:$0x3FB7] =	sst s0;
	s0 =	simm.s32 @!p1 $0x0  }
0x14: {  	s2 =	sld [smem:$0x3F9B];
	s0 =	simm.s32 @p1 $0x1  }
0x15: {  	[smem:$0x3FB8] =	sst s0;
	s0 =	simm.s32 @!p2 $0x0  }
0x16: {  	s3 =	sld [smem:$0x3FDB];
	s0 =	simm.s32 @p2 $0x1  }
0x17: {  	s4 =	simm.s32 $0x1BF5;
	[smem:$0x3FBA] =	sst s0  }
0x18: {  	s0 =	sld [smem:$0x3F9D];
	_ =	swait.ge [sflag:s4], $0x0  }
0x19: {  	s7 =	sld [smem:$0x3F9E]  }
0x1a: {  	s8 =	sadd.s32 $0xFFFFE003, lr  }
0x1b: {  	s9 =	sadd.s32 $0xFFFFFEF7, lr;
	s5 =	simm.s32 $0xFFFFFFFF;
	p2 =	slt.u32 s8, $0xFFFFF086  }
0x1c: {  	p1 =	slt.u32 s9, $0xF7A;
	s5 =	simm.s32 @!p2 $0x0  }
0x1d: {  	s5 =	simm.s32 @p1 $0x1;
	p0 =	seq.s32 s7, s2  }
0x1e: {  	s7 =	smul.u32 @!p0 $0xF7A, s2;
	p2 =	seq.s32 @!p0 s5, $0x0  }
0x1f: {  	s9 =	smul.u32 $0xF7A, s1;
	s8 =	simm.s32 @!p0 $0x1BF5;
	p2 =	por !p2, p0  }
0x20: {  	[sflag:s8] =	ssyncset.s32 @!p0 $0xFFFFF086;
	s6 =	sadd.s32 @!p0 s3, s7;
	s7 =	simm.s32 @!p0 $0x108  }
0x21: {  	s3 =	sadd.s32 s3, s9;
	s6 =	sadd.s32 @!p0 $0x88, s6;
	s7 =	simm.s32 @p2 $0x1082  }
0x22: {  	[simem:s7], [sflag:s8] =	dma.local @!p0 [hbm:s6], $0xF7A  }
0x23: {  	s9 =	sor.u32 $0xD0000000, s2;
	s6 =	simm.s32 $0x108;
	_ =	swait.ge @!p0 [sflag:s8], $0x0  }
0x24: {  	s3 =	sadd.s32 $0x88, s3;
	s6 =	simm.s32 @!p1 $0x1082;
	[sflag:s4] =	ssyncset.s32 $0xFFFFF086  }
0x25: {  	[simem:s6], [sflag:s4] =	dma.local [hbm:s3], $0xF7A  }
0x26: {  	[smem:$0x3F9E] =	sst s1;
	(tag) =	ssettag s2;
	_ =	strace s9  }
0x27: {  	s1 =	sld [smem:$0x3FAE]  }
0x28: {  	s2 =	sld [smem:$0x3FAF]  }
0x29: {  	s4 =	sld [smem:$0x3FB1]  }
0x2a: {  	p0 =	seq.s32 s5, $0x0;
	s5 =	sld [smem:$0x3FB2]  }
0x2b: {  	s6 =	sld [smem:$0x3FB3]  }
0x2c: {  	s7 =	sld [smem:$0x3FB4]  }
0x2d: {  	s3 =	simm.s32 $0x108;
	s8 =	sld [smem:$0x3FB5]  }
0x2e: {  	s3 =	simm.s32 @!p0 $0x1082;
	s9 =	sld [smem:$0x3FB6]  }
0x2f: {  	lr =	sadd.s32 s0, s3;
	s0 =	sld [smem:$0x3FAD]  }
0x30: {  	s3 =	sld [smem:$0x3FB0]  }
0x31: {  	[smem:$0x3FB9] =	sst s10  }
0x32: {  	s10 =	sld [smem:$0x3FB7];
	_ =	sdelay $0x3  }
0x33: {  	p0 =	seq.s32 s10, $0x1;
	s10 =	sld [smem:$0x3FB9];
	_ =	sdelay $0x3  }
0x34: {  	[smem:$0x3FB9] =	sst s10  }
0x35: {  	s10 =	sld [smem:$0x3FB8];
	_ =	sdelay $0x3  }
0x36: {  	p1 =	seq.s32 s10, $0x1;
	s10 =	sld [smem:$0x3FB9];
	_ =	sdelay $0x3  }
0x37: {  	[smem:$0x3FB9] =	sst s10  }
0x38: {  	s10 =	sld [smem:$0x3FBA]  }
0x39: {  	_ = 	snop;
	(pc) =	sbr.ind lr, $3  }
0x3a: {  	_ = 	snop  }
0x3b: {  	_ = 	snop  }
0x3c: {  	p2 =	seq.s32 s10, $0x1;
	s10 =	sld [smem:$0x3FB9]  }
0x3d: {  	_ =	shalt  }
0x3e: {  	_ =	shalt  }
0x3f: {  	_ =	shalt  }
0x40: {  	_ =	shalt  }
0x41: {  	_ =	shalt  }
0x42: {  	_ =	shalt  }
0x43: {  	_ =	shalt  }
0x44: {  	_ =	shalt  }
0x45: {  	_ =	shalt  }
0x46: {  	_ =	shalt  }
0x47: {  	_ =	shalt  }
0x48: {  	_ =	shalt  }
0x49: {  	_ =	shalt  }
0x4a: {  	_ =	shalt  }
0x4b: {  	_ =	shalt  }
0x4c: {  	_ =	shalt  }
0x4d: {  	_ =	shalt  }
0x4e: {  	_ =	shalt  }
0x4f: {  	_ =	shalt  }
0x50: {  	_ =	shalt  }
0x51: {  	_ =	shalt  }
0x52: {  	_ =	shalt  }
0x53: {  	_ =	shalt  }
0x54: {  	_ =	shalt  }
0x55: {  	_ =	shalt  }
0x56: {  	_ =	shalt  }
0x57: {  	_ =	shalt  }
0x58: {  	_ =	shalt  }
0x59: {  	_ =	shalt  }
0x5a: {  	_ =	shalt  }
0x5b: {  	_ =	shalt  }
0x5c: {  	_ =	shalt  }
0x5d: {  	_ =	shalt  }
0x5e: {  	_ =	shalt  }
0x5f: {  	_ =	shalt  }
0x60: {  	_ =	shalt  }
0x61: {  	_ =	shalt  }
0x62: {  	_ =	shalt  }
0x63: {  	_ =	shalt  }
0x64: {  	_ =	shalt  }
0x65: {  	_ =	shalt  }
0x66: {  	_ =	shalt  }
0x67: {  	_ =	shalt  }
0x68: {  	_ =	shalt  }
0x69: {  	_ =	shalt  }
0x6a: {  	_ =	shalt  }
0x6b: {  	_ =	shalt  }
0x6c: {  	_ =	shalt  }
0x6d: {  	_ =	shalt  }
0x6e: {  	_ =	shalt  }
0x6f: {  	_ =	shalt  }
0x70: {  	_ =	shalt  }
0x71: {  	_ =	shalt  }
0x72: {  	_ =	shalt  }
0x73: {  	_ =	shalt  }
0x74: {  	_ =	shalt  }
0x75: {  	_ =	shalt  }
0x76: {  	_ =	shalt  }
0x77: {  	_ =	shalt  }
0x78: {  	_ =	shalt  }
0x79: {  	_ =	shalt  }
0x7a: {  	_ =	shalt  }
0x7b: {  	_ =	shalt  }
0x7c: {  	_ =	shalt  }
0x7d: {  	_ =	shalt  }
0x7e: {  	_ =	shalt  }
0x7f: {  	_ =	shalt  }
0x80: {  	_ =	shalt  }
0x81: {  	_ =	shalt  }
0x82: {  	_ =	shalt  }
0x83: {  	_ =	shalt  }
0x84: {  	_ =	shalt  }
0x85: {  	_ =	shalt  }
0x86: {  	_ =	shalt  }
0x87: {  	_ =	shalt  }
.Lfunc_end0:
.L_simem_size_0:
called_computation_lowered:
.L_overlay_start_0:
0x88: {  	s0 =	sld [smem:$0x3FD9]  }
0x89: {  	s1 =	sld [smem:$0x3FFE];
	_ =	sdelay $0x3  }
0x8a: {  	s0 =	sadd.s32 s1, s0  }
0x8b: {  	[smem:$0x3FC5] =	sst s0  }
0x8c: {  	_ = 	snop  }
0x8d: {  	s0 =	sld [smem:$0x3FC9]  }
0x8e: {  	s17 =	sld [smem:$0x3FC8]  }
0x8f: {  	s2 =	sld [smem:$0x3FC7]  }
0x90: {  	s3 =	sld [smem:$0x3FD0];
	(tm) =	ssettm $0x1  }
0x91: {  	s4 =	sld [smem:$0x3FFB];
	_ =	sdelay $0x3  }
0x92: {  	_ =	strace s4  }
0x93: {  	s4 =	sld [smem:$0x3FFC];
	_ =	sdelay $0x3  }
0x94: {  	_ =	strace s4  }
0x95: {  	s4 =	sld [smem:$0x3FFD];
	_ =	sdelay $0x3  }
0x96: {  	_ =	strace s4  }
0x97: {  	_ =	strace $0x8FFFFFFF  }
0x98: {  	s18 =	sld [smem:$0x3FDB];
	_ =	sdelay $0x1  }
0x99: {  	s5 =	simm.s32 $_scs_section_size  }
0x9a: {  	s6 =	simm.s32 $_size__tile_overlayer_lowered;
	s7 =	simm.s32 $_tile_overlayer_lowered  }
0x9b: {  	s21 =	simm.s32 $0x1BFF;
	s20 =	sshll.u32 s7, $0x1;
	s4 =	sadd.s32 s5, s18  }
0x9c: {  	s8 =	simm.s32 $0x0;
	s19 =	sshll.u32 s6, $0x1;
	s6 =	sadd.s32 s20, s4  }
0x9d: {  	[timem:s8], [sflag:s21] =	dma.local [hbm:s6], s19  }
0x9e: {  	_ =	swait.ge [sflag:s21], s19  }
0x9f: {  	s5 =	ssub.s32 $0x0, s19;
	[sflag:s21] =	ssyncset.done $0x0  }
0xa0: {  	[sflag:s21] =	ssyncadd.s32 s5;
	_ =	sdelay $0x1  }
0xa1: {  	s22 =	simm.s32 $0x1B8B  }
0xa2: {  	_ =	swait.ge [sflag:s22], $0x1  }
0xa3: {  	[sflag:s22] =	ssyncset.done $0x0  }
0xa4: {  	s23 =	simm.s32 $0x1B8E;
	[sflag:s22] =	ssyncadd.s32 $0xFFFFFFFF  }
0xa5: {  	s24 =	simm.s32 $execute0_lowered;
	[smem:$0x3FD2] =	sst s23  }
0xa6: {  	s5 =	sshll.u32 s24, $0x1;
	_ =	strace $0x80000046;
	[dreg:$0x1] =	wrdreg $0xFFFFFFFF  }
0xa7: {  	s25 =	simm.s32 $_size_execute0_lowered;
	s4 =	sadd.s32 s4, s5;
	[dreg:$0x0] =	wrdreg $0x0  }
0xa8: {  	s5 =	sshll.u32 s25, $0x1;
	[dreg:$0x2] =	wrdreg s4  }
0xa9: {  	[dreg:$0x3] =	wrdreg s5  }
0xaa: {  	[dreg:$0x4] =	wrdreg $0xC0  }
0xab: {  	_ =	task [dreg:s8], $0x5FFFF  }
0xac: {  	[dreg:$0x1] =	wrdreg $0xFFFFFFFF  }
0xad: {  	[dreg:$0x0] =	wrdreg $0x60  }
0xae: {  	[dreg:$0x2] =	wrdreg s0  }
0xaf: {  	[dreg:$0x3] =	wrdreg s17  }
0xb0: {  	[dreg:$0x4] =	wrdreg s2  }
0xb1: {  	[dreg:$0x5] =	wrdreg s3  }
0xb2: {  	[dreg:$0x6] =	wrdreg $0xA800  }
0xb3: {  	[dreg:$0x7] =	wrdreg $0x9  }
0xb4: {  	_ =	task.clear_ibuf [dreg:s8], $0x8FFFF;
	_ =	strace $0x90000046  }
0xb5: {  	s26 =	simm.s32 $0x9;
	_ =	strace $0x80000048  }
0xb6: {  	_ =	swait.ge [sflag:s26], $0x1  }
0xb7: {  	[sflag:s26] =	ssyncadd.s32 $0xFFFFFFFF  }
0xb8: {  	_ =	strace $0x90000048  }
0xb9: {  	_ =	sfence  }
0xba: {  	s28 =	sld [smem:$0x0];
	_ =	sdelay $0x1  }
0xbb: {  	s29 =	srdreg.scid  }
0xbc: {  	s30 =	sshll.u32 s29, $0xD;
	s31 =	sshrl.u32 s29, $0x2  }
0xbd: {  	s1 =	sand.u32 $0x1, s29;
	s2 =	sand.u32 $0x4000, s30;
	s0 =	sadd.s32 s31, s28  }
0xbe: {  	s1 =	sor.u32 s2, s1;
	s0 =	sshll.u32 s0, $0x11  }
0xbf: {  	s0 =	sor.u32 s0, s1  }
0xc0: {  	s0 =	sadd.s32 $0x8F2B, s0  }
0xc1: {  	[sflag:s0] =	ssyncadd.remote.s32 $0x1  }
0xc2: {  	_ =	sfence.sel $0xFFFF  }
0xc3: {  	[dreg:$0x0] =	wrdreg $0xFFFFFFFF;
	(pc) =	sbr.abs _section_cstart, $3  }
0xc4: {  	[dreg:$0x1] =	wrdreg $0xFFFFFFFF  }
0xc5: {  	_ =	task.clear_ibuf [dreg:s8], $0x2FFFF;
	_ =	strace $0x9FFFFFFF  }
0xc6: {  	(tm) =	ssettm $0x7FFFFFFF  }
0xc7: {  	_ =	shalt  }
tec
execute0_lowered:
.L_overlay_start_1:
0x0: {  	(tag) =	ssettag $0x1  }
0x1: {  	s4 =	rddreg [dreg:$0x0]  }
0x2: {  	s5 =	rddreg [dreg:$0x1]  }
0x3: {  	s6 =	rddreg [dreg:$0x2]  }
0x4: {  	s2 =	rddreg [dreg:$0x3]  }
0x5: {  	s3 =	rddreg [dreg:$0x4];
	s7 =	simm.s32 $0x0;
	s1 =	stileid.u32  }
0x6: {  	[smem:$0x7FF] =	sst s7;
	s8 =	sshll.u32 s1, $0x8  }
0x7: {  	s0 =	rddreg [dreg:$0x5];
	_ =	strace $0x80000047;
	s4 =	sadd.s32 s4, s8  }
0x8: {  	[tilespmem:s7], [sflag:$0x1] =	stream.linear.gather [hbm4b:s4+s7], $0x400, $0x38;
	[tilespmem:$0xA90] =	vst v63  }
0x9: {  	s24 =	simm.s32 $0x400;
	s4 =	sadd.s32 $0x80, s4  }
0xa: {  	[tilespmem:s24], [sflag:$0x2] =	stream.linear.gather [hbm4b:s4+s7], $0x400, $0x38;
	[tilespmem:$0xA90] =	vst v63  }
0xb: {  	s25 =	simm.s32 $0x980  }
0xc: {  	[tilespmem:s25], [sflag:$0x3] =	stream.linear.gather [hbm4b:s5+s7], $0x80, $0x38;
	[tilespmem:$0xA90] =	vst v63  }
0xd: {  	s26 =	simm.s32 $0xA00;
	s28 =	simm.s32 $0x3  }
0xe: {  	[tilespmem:s26], [sflag:$0x4] =	stream.linear.gather [hbm4b:s6+s7], $0x80, $0x38;
	[tilespmem:$0xA90] =	vst v63  }
0xf: {  	_ =	swait.ge [sflag:s28], $0x80  }
0x10: {  	[sflag:s28] =	ssyncset.done $0x0  }
0x11: {  	s29 =	simm.s32 $0x4;
	[sflag:s28] =	ssyncadd.s32 $0xFFFFFF80  }
0x12: {  	_ =	swait.ge [sflag:s29], $0x80  }
0x13: {  	[sflag:s29] =	ssyncset.done $0x0  }
0x14: {  	[sflag:s29] =	ssyncadd.s32 $0xFFFFFF80  }
0x15: {  	v0 =	vld [tilespmem:$0x980];
	_ =	sdelay $0x4  }
0x16: {  	v0 =	vcvt.s32.f32 v0;
	_ =	sdelay $0x1  }
0x17: {  	v0 =	vmul.f32 $1.600000000e+01, v0;
	_ =	sdelay $0x1  }
0x18: {  	(erf) = vrcp.f32 v0;
	_ =	sdelay $0x8  }
0x19: {  	s30 =	simm.s32 $0x1;
	v1 =	vpop (erf)  }
0x1a: {  	v0 =	vld [tilespmem:$0xA00];
	_ =	swait.ge [sflag:s30], $0x400  }
0x1b: {  	[sflag:s30] =	ssyncset.done $0x0  }
0x1c: {  	s31 =	simm.s32 $0x0;
	[sflag:s30] =	ssyncadd.s32 $0xFFFFFC00  }
0x1d: {  	v2 =	vld [tilespmem:s31+$0xA0]  }
0x1e: {  	v3 =	vld [tilespmem:s31+$0xD0]  }
0x1f: {  	v4 =	vld [tilespmem:s31+$0xF0]  }
0x20: {  	v5 =	vld [tilespmem:s31+$0xC0]  }
0x21: {  	v6 =	vld [tilespmem:s31+$0x60]  }
0x22: {  	v0 =	vcvt.s32.f32 v0;
	v7 =	vld [tilespmem:s31+$0x70]  }
0x23: {  	v8 =	vld [tilespmem:s31+$0x40]  }
0x24: {  	v0 =	vadd.f32 v0, v0;
	v9 =	vld [tilespmem:s31+$0x50]  }
0x25: {  	v10 =	vld [tilespmem:s31+$0x20]  }
0x26: {  	v0 =	vsub.f32 $1.000000000e+00, v0;
	v11 =	vld [tilespmem:s31+$0x30]  }
0x27: {  	v13 =	vld [tilespmem:s31+$0x90]  }
0x28: {  	v0 =	vmul.f32 v0, v1;
	v12 =	vld [tilespmem:s31+$0x0];
	v2 =	vadd.f32 $-5.000000000e-01, v2  }
0x29: {  	v1 =	vmov s1;
	v14 =	vld [tilespmem:s31+$0xE0];
	v7 =	vadd.f32 $-5.000000000e-01, v7;
	v4 =	vadd.f32 $-5.000000000e-01, v4  }
0x2a: {  	v0 =	vperm.xlane v0, v1;
	v15 =	vld [tilespmem:s31+$0x10];
	v8 =	vadd.f32 $-5.000000000e-01, v8;
	v3 =	vadd.f32 $-5.000000000e-01, v3  }
0x2b: {  	v1 =	vimm.f32 $0.0e+00;
	v16 =	vld [tilespmem:s31+$0xB0];
	v9 =	vadd.f32 $-5.000000000e-01, v9;
	v6 =	vadd.f32 $-5.000000000e-01, v6  }
0x2c: {  	s4 =	simm.s32 $0x100;
	v17 =	vld [tilespmem:s31+$0x80];
	v5 =	vadd.f32 $-5.000000000e-01, v5;
	v13 =	vadd.f32 $-5.000000000e-01, v13;
	v7 =	vmul.f32 v7, v7  }
0x2d: {  	v20 =	vld [tilespmem:s4+$0xD0];
	v10 =	vadd.f32 $-5.000000000e-01, v10;
	v12 =	vadd.f32 $-5.000000000e-01, v12;
	v6 =	vmul.f32 v6, v6  }
0x2e: {  	v18 =	vld [tilespmem:s4+$0xA0];
	v4 =	vmul.f32 v4, v4;
	v8 =	vmul.f32 v8, v8;
	v7 =	vadd.f32 v7, v1  }
0x2f: {  	v22 =	vld [tilespmem:s4+$0xF0];
	v9 =	vmul.f32 v9, v9;
	v19 =	vmul.f32 v5, v5;
	v6 =	vadd.f32 v6, v1  }
0x30: {  	v23 =	vld [tilespmem:s4+$0x70];
	v21 =	vmul.f32 v3, v3;
	v5 =	vadd.f32 v4, v7;
	v4 =	vadd.f32 $-5.000000000e-01, v15  }
0x31: {  	v25 =	vld [tilespmem:s4+$0x40];
	v10 =	vmul.f32 v10, v10;
	v7 =	vadd.f32 v8, v1;
	v8 =	vadd.f32 $-5.000000000e-01, v14  }
0x32: {  	v28 =	vld [tilespmem:s4+$0xC0];
	v3 =	vmul.f32 v2, v2;
	v14 =	vadd.f32 $-5.000000000e-01, v11;
	v11 =	vadd.f32 $-5.000000000e-01, v20  }
0x33: {  	v2 =	vld [tilespmem:s4+$0x60];
	v15 =	vmul.f32 v12, v12;
	v12 =	vadd.f32 v10, v1;
	v10 =	vadd.f32 $-5.000000000e-01, v16  }
0x34: {  	v27 =	vmul.f32 v13, v13;
	v20 =	vadd.f32 $-5.000000000e-01, v22;
	v7 =	vadd.f32 v19, v7;
	v19 =	vld [tilespmem:s4+$0x50]  }
0x35: {  	v16 =	vld [tilespmem:s4+$0x20];
	v22 =	vadd.f32 $-5.000000000e-01, v23;
	v13 =	vmul.f32 v4, v4;
	v14 =	vmul.f32 v14, v14  }
0x36: {  	v4 =	vadd.f32 $-5.000000000e-01, v18;
	v24 =	vmul.f32 v10, v10;
	v10 =	vadd.f32 $-5.000000000e-01, v25;
	v25 =	vld [tilespmem:s4+$0x90]  }
0x37: {  	v26 =	vmul.f32 v22, v22;
	v22 =	vld [tilespmem:s4+$0x10];
	v18 =	vadd.f32 v14, v1;
	v14 =	vadd.f32 v9, v1  }
0x38: {  	v23 =	vadd.f32 $-5.000000000e-01, v17;
	v30 =	vmul.f32 v8, v8;
	v9 =	vld [tilespmem:s4+$0x30];
	v29 =	vadd.f32 v13, v1  }
0x39: {  	v20 =	vmul.f32 v20, v20;
	v13 =	vld [tilespmem:s4+$0x0];
	v8 =	vadd.f32 v21, v14;
	v14 =	vadd.f32 $-5.000000000e-01, v19  }
0x3a: {  	v6 =	vadd.f32 v30, v6;
	v17 =	vadd.f32 $-5.000000000e-01, v16;
	v16 =	vld [tilespmem:s4+$0xB0];
	v21 =	vmul.f32 v10, v10  }
0x3b: {  	s5 =	simm.s32 $0x800;
	v10 =	vadd.f32 v27, v29;
	v27 =	vadd.f32 $-5.000000000e-01, v28;
	v19 =	vld [tilespmem:s4+$0xE0];
	v14 =	vmul.f32 v14, v14  }
.LBB2_1:
0x3c: {  	p0 =	sne.s32 s5, $0xC00;
	v5 =	vadd.f32 v26, v5;
	v26 =	vld [tilespmem:s4+$0x80];
	s4 =	sshra.s32 s5, $0x2;
	s5 =	sadd.s32 $0x400, s5;
	v23 =	vmul.f32 v23, v23;
	v18 =	vadd.f32 v24, v18  }
0x3d: {  	v1 =	vadd.f32 v15, v1;
	v24 =	vld [tilespmem:s4+$0xA0];
	v25 =	vadd.f32 $-5.000000000e-01, v25;
	v27 =	vmul.f32 v27, v27  }
0x3e: {  	v28 =	vmul.f32 v11, v11;
	v12 =	vadd.f32 v3, v12;
	v15 =	vld [tilespmem:s4+$0xD0];
	v5 =	vadd.f32 v20, v5  }
0x3f: {  	v1 =	vadd.f32 v23, v1;
	v20 =	vld [tilespmem:s4+$0xF0];
	v11 =	vadd.f32 $-5.000000000e-01, v22;
	v29 =	vmul.f32 v25, v25  }
0x40: {  	v7 =	vadd.f32 v21, v7;
	v3 =	vmul.f32 v4, v4;
	v19 =	vadd.f32 $-5.000000000e-01, v19;
	v30 =	vld [tilespmem:s4+$0xC0]  }
0x41: {  	v13 =	vadd.f32 $-5.000000000e-01, v13;
	v9 =	vadd.f32 $-5.000000000e-01, v9;
	v21 =	vld [tilespmem:s4+$0x60];
	v22 =	vmul.f32 v11, v11  }
0x42: {  	v17 =	vmul.f32 v17, v17;
	v2 =	vadd.f32 $-5.000000000e-01, v2;
	v23 =	vld [tilespmem:s4+$0x70];
	v4 =	vadd.f32 $-5.000000000e-01, v24  }
0x43: {  	v9 =	vmul.f32 v9, v9;
	v7 =	vadd.f32 v27, v7;
	v25 =	vld [tilespmem:s4+$0x40];
	v11 =	vadd.f32 $-5.000000000e-01, v15  }
0x44: {  	v12 =	vadd.f32 v17, v12;
	v16 =	vadd.f32 $-5.000000000e-01, v16;
	v15 =	vmul.f32 v13, v13;
	v27 =	vld [tilespmem:s4+$0x50]  }
0x45: {  	v8 =	vadd.f32 v14, v8;
	v14 =	vmul.f32 v2, v2;
	v18 =	vadd.f32 v9, v18;
	v17 =	vld [tilespmem:s4+$0x20]  }
0x46: {  	v31 =	vmul.f32 v19, v19;
	v10 =	vadd.f32 v22, v10;
	v20 =	vadd.f32 $-5.000000000e-01, v20;
	v9 =	vld [tilespmem:s4+$0x30];
	v2 =	vmovc v21  }
.Ltmp0:
0x47: {  	v24 =	vmul.f32 v16, v16;
	v13 =	vld [tilespmem:s4+$0x0];
	v19 =	vadd.f32 $-5.000000000e-01, v23;
	v23 =	vadd.f32 $-5.000000000e-01, v26;
	(pc) =	sbr.rel @p0 .LBB2_1-.Ltmp0, $4  }
0x48: {  	v8 =	vadd.f32 v28, v8;
	v20 =	vmul.f32 v20, v20;
	v16 =	vadd.f32 $-5.000000000e-01, v25;
	v25 =	vld [tilespmem:s4+$0x90]  }
0x49: {  	v6 =	vadd.f32 v14, v6;
	v27 =	vadd.f32 $-5.000000000e-01, v27;
	v26 =	vmul.f32 v19, v19;
	v19 =	vld [tilespmem:s4+$0xE0]  }
0x4a: {  	v10 =	vadd.f32 v29, v10;
	v22 =	vld [tilespmem:s4+$0x10];
	v17 =	vadd.f32 $-5.000000000e-01, v17;
	v21 =	vmul.f32 v16, v16  }
0x4b: {  	v6 =	vadd.f32 v31, v6;
	v14 =	vmul.f32 v27, v27;
	v16 =	vld [tilespmem:s4+$0xB0];
	v27 =	vadd.f32 $-5.000000000e-01, v30  }
0x4c: {  	s31 =	simm.s32 $0x2;
	v5 =	vadd.f32 v26, v5;
	v18 =	vadd.f32 v24, v18  }
0x4d: {  	v28 =	vld [tilespmem:s4+$0x80];
	v1 =	vadd.f32 v15, v1;
	v3 =	vadd.f32 v3, v12;
	_ =	swait.ge [sflag:s31], $0x400  }
0x4e: {  	v7 =	vadd.f32 v21, v7;
	v9 =	vadd.f32 $-5.000000000e-01, v9;
	[sflag:s31] =	ssyncset.done $0x0  }
0x4f: {  	v23 =	vmul.f32 v23, v23;
	s5 =	simm.s32 $0x0;
	v13 =	vadd.f32 $-5.000000000e-01, v13;
	v2 =	vadd.f32 $-5.000000000e-01, v2;
	[sflag:s31] =	ssyncadd.s32 $0xFFFFFC00  }
0x50: {  	v11 =	vmul.f32 v11, v11;
	v24 =	vadd.f32 $-5.000000000e-01, v25;
	v8 =	vadd.f32 v14, v8;
	v15 =	vld [tilespmem:s5+$0x4A0]  }
0x51: {  	v17 =	vmul.f32 v17, v17;
	v5 =	vadd.f32 v20, v5;
	v1 =	vadd.f32 v23, v1;
	v21 =	vld [tilespmem:s5+$0x4D0]  }
0x52: {  	v25 =	vmul.f32 v27, v27;
	v19 =	vadd.f32 $-5.000000000e-01, v19;
	v12 =	vadd.f32 $-5.000000000e-01, v22;
	v22 =	vld [tilespmem:s5+$0x4F0]  }
0x53: {  	v9 =	vmul.f32 v9, v9;
	v13 =	vmul.f32 v13, v13;
	v3 =	vadd.f32 v17, v3;
	v23 =	vld [tilespmem:s5+$0x4C0]  }
0x54: {  	v2 =	vmul.f32 v2, v2;
	v20 =	vmul.f32 v24, v24;
	v24 =	vld [tilespmem:s5+$0x460];
	v16 =	vadd.f32 $-5.000000000e-01, v16  }
0x55: {  	v7 =	vadd.f32 v25, v7;
	v8 =	vadd.f32 v11, v8;
	v17 =	vld [tilespmem:s5+$0x470];
	v12 =	vmul.f32 v12, v12  }
0x56: {  	v9 =	vadd.f32 v9, v18;
	v14 =	vld [tilespmem:s5+$0x440];
	v2 =	vadd.f32 v2, v6;
	v16 =	vmul.f32 v16, v16  }
0x57: {  	v4 =	vmul.f32 v4, v4;
	v6 =	vld [tilespmem:s5+$0x420];
	v1 =	vadd.f32 v13, v1;
	v10 =	vadd.f32 v12, v10  }
0x58: {  	s4 =	simm.s32 $0x100;
	v13 =	vld [tilespmem:s5+$0x430];
	v18 =	vadd.f32 $-5.000000000e-01, v28;
	v12 =	vmul.f32 v19, v19;
	v9 =	vadd.f32 v16, v9  }
0x59: {  	v25 =	vld [tilespmem:s4+$0x4A0];
	v16 =	vadd.f32 v4, v3;
	v11 =	vadd.f32 v20, v10  }
0x5a: {  	v26 =	vld [tilespmem:s4+$0x4D0];
	v10 =	vmul.f32 v18, v18;
	v18 =	vadd.f32 v12, v2;
	v3 =	vadd.f32 $-5.000000000e-01, v15  }
0x5b: {  	v19 =	vld [tilespmem:s5+$0x450];
	v4 =	vadd.f32 $-5.000000000e-01, v17;
	v15 =	vadd.f32 $-5.000000000e-01, v22  }
0x5c: {  	v2 =	vld [tilespmem:s5+$0x490];
	v14 =	vadd.f32 $-5.000000000e-01, v14;
	v20 =	vadd.f32 $-5.000000000e-01, v21  }
0x5d: {  	v17 =	vld [tilespmem:s5+$0x410];
	v22 =	vadd.f32 $-5.000000000e-01, v23;
	v6 =	vadd.f32 $-5.000000000e-01, v6  }
0x5e: {  	v12 =	vld [tilespmem:s5+$0x400];
	v13 =	vadd.f32 $-5.000000000e-01, v13;
	v24 =	vadd.f32 $-5.000000000e-01, v24  }
0x5f: {  	v1 =	vadd.f32 v10, v1;
	v10 =	vld [tilespmem:s5+$0x4E0];
	v4 =	vmul.f32 v4, v4;
	v14 =	vmul.f32 v14, v14  }
0x60: {  	v29 =	vld [tilespmem:s4+$0x4C0];
	v15 =	vmul.f32 v15, v15;
	v22 =	vmul.f32 v22, v22;
	v19 =	vadd.f32 $-5.000000000e-01, v19  }
0x61: {  	v21 =	vld [tilespmem:s5+$0x4B0];
	v27 =	vmul.f32 v20, v20;
	v4 =	vadd.f32 v4, v5;
	v7 =	vadd.f32 v14, v7  }
0x62: {  	v31 =	vld [tilespmem:s4+$0x470];
	v13 =	vmul.f32 v13, v13;
	v2 =	vadd.f32 $-5.000000000e-01, v2;
	v17 =	vadd.f32 $-5.000000000e-01, v17  }
0x63: {  	v23 =	vld [tilespmem:s5+$0x480];
	v19 =	vmul.f32 v19, v19;
	v12 =	vadd.f32 $-5.000000000e-01, v12;
	v5 =	vadd.f32 v15, v4  }
0x64: {  	v15 =	vld [tilespmem:s4+$0x4F0];
	v28 =	vmul.f32 v2, v2;
	v2 =	vmul.f32 v3, v3;
	v20 =	vadd.f32 $-5.000000000e-01, v10  }
0x65: {  	v4 =	vld [tilespmem:s4+$0x460];
	v30 =	vmul.f32 v17, v17;
	v3 =	vadd.f32 $-5.000000000e-01, v25;
	v10 =	vadd.f32 $-5.000000000e-01, v26  }
0x66: {  	v17 =	vmul.f32 v6, v6;
	v25 =	vld [tilespmem:s4+$0x440];
	v6 =	vadd.f32 v22, v7;
	v7 =	vadd.f32 $-5.000000000e-01, v21  }
0x67: {  	v26 =	vld [tilespmem:s4+$0x450];
	v14 =	vmul.f32 v12, v12;
	v8 =	vadd.f32 v19, v8;
	v19 =	vadd.f32 $-5.000000000e-01, v31  }
0x68: {  	v21 =	vmul.f32 v24, v24;
	v22 =	vadd.f32 $-5.000000000e-01, v23;
	v12 =	vadd.f32 v17, v16;
	v16 =	vld [tilespmem:s4+$0x420]  }
0x69: {  	v24 =	vld [tilespmem:s4+$0x490];
	v17 =	vadd.f32 v13, v9;
	v11 =	vadd.f32 v30, v11  }
0x6a: {  	v9 =	vld [tilespmem:s4+$0x430];
	v23 =	vmul.f32 v7, v7;
	v7 =	vadd.f32 v27, v8;
	v32 =	vadd.f32 v21, v18  }
0x6b: {  	v62 =	vmul.f32 v20, v20;
	v13 =	vld [tilespmem:s4+$0x400];
	v27 =	vadd.f32 $-5.000000000e-01, v29;
	v15 =	vadd.f32 $-5.000000000e-01, v15  }
0x6c: {  	v63 =	vadd.f32 $-5.000000000e-01, v25;
	v8 =	vadd.f32 $-5.000000000e-01, v26;
	v26 =	vmul.f32 v19, v19;
	v19 =	vld [tilespmem:s4+$0x4E0]  }
0x6d: {  	v11 =	vadd.f32 v28, v11;
	v25 =	vld [tilespmem:s4+$0x410];
	v20 =	vmul.f32 v15, v15;
	v18 =	vadd.f32 $-5.000000000e-01, v16  }
0x6e: {  	s5 =	simm.s32 $0x800;
	v21 =	vmul.f32 v63, v63;
	v15 =	vmul.f32 v8, v8;
	v16 =	vld [tilespmem:s4+$0x4B0];
	v8 =	vadd.f32 v62, v32  }
.LBB2_3:
0x6f: {  	p0 =	sne.s32 s5, $0xC00;
	v5 =	vadd.f32 v26, v5;
	v26 =	vld [tilespmem:s4+$0x480];
	s4 =	sshra.s32 s5, $0x2;
	s5 =	sadd.s32 $0x400, s5;
	v22 =	vmul.f32 v22, v22;
	v17 =	vadd.f32 v23, v17  }
0x70: {  	v1 =	vadd.f32 v14, v1;
	v23 =	vld [tilespmem:s4+$0x4A0];
	v24 =	vadd.f32 $-5.000000000e-01, v24;
	v27 =	vmul.f32 v27, v27  }
0x71: {  	v28 =	vmul.f32 v10, v10;
	v12 =	vadd.f32 v2, v12;
	v14 =	vld [tilespmem:s4+$0x4D0];
	v5 =	vadd.f32 v20, v5  }
0x72: {  	v1 =	vadd.f32 v22, v1;
	v20 =	vld [tilespmem:s4+$0x4F0];
	v10 =	vadd.f32 $-5.000000000e-01, v25;
	v29 =	vmul.f32 v24, v24  }
0x73: {  	v6 =	vadd.f32 v21, v6;
	v2 =	vmul.f32 v3, v3;
	v19 =	vadd.f32 $-5.000000000e-01, v19;
	v30 =	vld [tilespmem:s4+$0x4C0]  }
0x74: {  	v13 =	vadd.f32 $-5.000000000e-01, v13;
	v9 =	vadd.f32 $-5.000000000e-01, v9;
	v21 =	vld [tilespmem:s4+$0x460];
	v22 =	vmul.f32 v10, v10  }
0x75: {  	v18 =	vmul.f32 v18, v18;
	v4 =	vadd.f32 $-5.000000000e-01, v4;
	v24 =	vld [tilespmem:s4+$0x470];
	v3 =	vadd.f32 $-5.000000000e-01, v23  }
0x76: {  	v9 =	vmul.f32 v9, v9;
	v6 =	vadd.f32 v27, v6;
	v25 =	vld [tilespmem:s4+$0x440];
	v10 =	vadd.f32 $-5.000000000e-01, v14  }
0x77: {  	v12 =	vadd.f32 v18, v12;
	v16 =	vadd.f32 $-5.000000000e-01, v16;
	v14 =	vmul.f32 v13, v13;
	v27 =	vld [tilespmem:s4+$0x450]  }
0x78: {  	v7 =	vadd.f32 v15, v7;
	v15 =	vmul.f32 v4, v4;
	v17 =	vadd.f32 v9, v17;
	v18 =	vld [tilespmem:s4+$0x420]  }
0x79: {  	v31 =	vmul.f32 v19, v19;
	v11 =	vadd.f32 v22, v11;
	v20 =	vadd.f32 $-5.000000000e-01, v20;
	v9 =	vld [tilespmem:s4+$0x430];
	v4 =	vmovc v21  }
.Ltmp1:
0x7a: {  	v23 =	vmul.f32 v16, v16;
	v22 =	vadd.f32 $-5.000000000e-01, v26;
	v13 =	vld [tilespmem:s4+$0x400];
	v19 =	vadd.f32 $-5.000000000e-01, v24;
	(pc) =	sbr.rel @p0 .LBB2_3-.Ltmp1, $4  }
0x7b: {  	v7 =	vadd.f32 v28, v7;
	v20 =	vmul.f32 v20, v20;
	v16 =	vadd.f32 $-5.000000000e-01, v25;
	v24 =	vld [tilespmem:s4+$0x490]  }
0x7c: {  	v8 =	vadd.f32 v15, v8;
	v27 =	vadd.f32 $-5.000000000e-01, v27;
	v26 =	vmul.f32 v19, v19;
	v19 =	vld [tilespmem:s4+$0x4E0]  }
0x7d: {  	v11 =	vadd.f32 v29, v11;
	v25 =	vld [tilespmem:s4+$0x410];
	v18 =	vadd.f32 $-5.000000000e-01, v18;
	v21 =	vmul.f32 v16, v16  }
0x7e: {  	v8 =	vadd.f32 v31, v8;
	v15 =	vmul.f32 v27, v27;
	v16 =	vld [tilespmem:s4+$0x4B0];
	v27 =	vadd.f32 $-5.000000000e-01, v30  }
0x7f: {  	v5 =	vadd.f32 v26, v5  }
0x80: {  	v22 =	vmul.f32 v22, v22;
	v17 =	vadd.f32 v23, v17;
	v1 =	vadd.f32 v14, v1  }
0x81: {  	v10 =	vmul.f32 v10, v10;
	v2 =	vadd.f32 v2, v12;
	v6 =	vadd.f32 v21, v6  }
0x82: {  	v3 =	vmul.f32 v3, v3;
	v9 =	vadd.f32 $-5.000000000e-01, v9;
	v13 =	vadd.f32 $-5.000000000e-01, v13  }
0x83: {  	v18 =	vmul.f32 v18, v18;
	v4 =	vadd.f32 $-5.000000000e-01, v4;
	v56 =	vadd.f32 $-5.000000000e-01, v24  }
0x84: {  	v59 =	vld [tilespmem:s4+$0x480];
	v57 =	vmul.f32 v27, v27;
	v7 =	vadd.f32 v15, v7;
	v5 =	vadd.f32 v20, v5  }
0x85: {  	v1 =	vadd.f32 v22, v1;
	v19 =	vadd.f32 $-5.000000000e-01, v19;
	v9 =	vmul.f32 v9, v9  }
0x86: {  	v2 =	vadd.f32 v18, v2;
	v4 =	vmul.f32 v4, v4;
	v58 =	vadd.f32 $-5.000000000e-01, v25  }
0x87: {  	v13 =	vmul.f32 v13, v13;
	v6 =	vadd.f32 v57, v6;
	v16 =	vadd.f32 $-5.000000000e-01, v16  }
0x88: {  	v60 =	vmul.f32 v56, v56;
	v9 =	vadd.f32 v9, v17;
	v4 =	vadd.f32 v4, v8  }
0x89: {  	v1 =	vadd.f32 v13, v1;
	v12 =	vmul.f32 v58, v58;
	v14 =	vadd.f32 $-5.000000000e-01, v59  }
0x8a: {  	v63 =	vmul.f32 v19, v19;
	v2 =	vadd.f32 v3, v2;
	v61 =	vmul.f32 v16, v16  }
0x8b: {  	v3 =	vadd.f32 v10, v7;
	v11 =	vadd.f32 v12, v11;
	v62 =	vmul.f32 v14, v14  }
0x8c: {  	v4 =	vadd.f32 v63, v4;
	v9 =	vadd.f32 v61, v9  }
0x8d: {  	v11 =	vadd.f32 v60, v11;
	v1 =	vadd.f32 v62, v1  }
0x8e: {  	v3 =	vadd.f32 v3, v6;
	v4 =	vadd.f32 v5, v4  }
0x8f: {  	v2 =	vadd.f32 v9, v2;
	v1 =	vadd.f32 v11, v1  }
0x90: {  	p0 =	seq.s32 s1, $0x0  }
.Ltmp2:
0x91: {  	v1 =	vadd.f32 v2, v1;
	v2 =	vadd.f32 v4, v3;
	(pc) =	sbr.rel @p0 .LBB2_6-.Ltmp2, $3  }
0x92: {  	_ = 	snop  }
0x93: {  	v1 =	vadd.f32 v2, v1;
	_ =	sdelay $0x1  }
0x94: {  	v0 =	vmul.f32 v1, v0  }
0x95: {  	s2 =	sshll.u32 s1, $0x4  }
0x96: {  	s30 =	simm.s32 $0x800;
	s31 =	simm.s32 $0x5;
	s2 =	sadd.s32 s2, s3;
	[tilespmem:$0x800] =	vst v0  }
0x97: {  	[spmem:s2] =	stream.linear.scatter [tilespmem:s30], [sflag:$0x5], $0x10, $0x38;
	[tilespmem:$0xA90] =	vst v63  }
.Ltmp3:
0x98: {  	_ =	swait.ge [sflag:s31], $0x10;
	(pc) =	sbr.rel .LBB2_7-.Ltmp3, $3  }
0x99: {  	[sflag:s31] =	ssyncset.done $0x0  }
0x9a: {  	[sflag:s31] =	ssyncadd.s32 $0xFFFFFFF0  }
0x9b: {  	[bflag:$0x0] =	sbarrier.arrive $0xFFFF;
	_ =	sdelay $0x1  }
.LBB2_6:
0x9c: {  	s3 =	sadd.s32 $0x10, s3  }
0x9d: {  	[bflag:$0x0] =	sbarrier.arrive $0xFFFF;
	s4 =	simm.s32 $0x880;
	s30 =	simm.s32 $0x5  }
0x9e: {  	[tilespmem:s4], [sflag:$0x5] =	stream.linear.gather [spmem:s3], $0xF0, $0x38;
	[tilespmem:$0xA90] =	vst v63  }
0x9f: {  	_ =	swait.ge [sflag:s30], $0xF0  }
0xa0: {  	[sflag:s30] =	ssyncset.done $0x0  }
0xa1: {  	[sflag:s30] =	ssyncadd.s32 $0xFFFFFF10  }
0xa2: {  	v1 =	vld [tilespmem:$0x880];
	_ =	sdelay $0x1  }
0xa3: {  	v2 =	vld [tilespmem:$0x890];
	_ =	sdelay $0x1  }
0xa4: {  	v3 =	vld [tilespmem:$0x8A0]  }
0xa5: {  	v0 =	vadd.f32 v1, v0  }
0xa6: {  	v42 =	vld [tilespmem:$0x8B0]  }
0xa7: {  	v0 =	vadd.f32 v2, v0  }
0xa8: {  	v43 =	vld [tilespmem:$0x8C0]  }
0xa9: {  	v0 =	vadd.f32 v3, v0  }
0xaa: {  	v44 =	vld [tilespmem:$0x8D0]  }
0xab: {  	v0 =	vadd.f32 v42, v0  }
0xac: {  	v45 =	vld [tilespmem:$0x8E0]  }
0xad: {  	v0 =	vadd.f32 v43, v0  }
0xae: {  	v46 =	vld [tilespmem:$0x8F0]  }
0xaf: {  	v0 =	vadd.f32 v44, v0  }
0xb0: {  	v47 =	vld [tilespmem:$0x900]  }
0xb1: {  	v0 =	vadd.f32 v45, v0  }
0xb2: {  	v48 =	vld [tilespmem:$0x910]  }
0xb3: {  	v0 =	vadd.f32 v46, v0  }
0xb4: {  	v49 =	vld [tilespmem:$0x920]  }
0xb5: {  	v0 =	vadd.f32 v47, v0  }
0xb6: {  	v50 =	vld [tilespmem:$0x930]  }
0xb7: {  	v0 =	vadd.f32 v48, v0  }
0xb8: {  	v51 =	vld [tilespmem:$0x940]  }
0xb9: {  	v0 =	vadd.f32 v49, v0  }
0xba: {  	v4 =	vimm.s32 $0xFEDCBA98;
	v52 =	vld [tilespmem:$0x950]  }
0xbb: {  	v54 =	vimm.s32 $0x76543210;
	v4 =	vunpack.c.l.s4.s8 v4;
	v0 =	vadd.f32 v50, v0  }
0xbc: {  	v53 =	vld [tilespmem:$0x960];
	v1 =	vunpack.c.l.s4.s8 v54  }
0xbd: {  	v55 =	vunpack.c.0.s8.s32 v4;
	v0 =	vadd.f32 v51, v0  }
0xbe: {  	v56 =	vimm.s32 $0xBA98FEDC;
	v1 =	vunpack.c.0.s8.s32 v1  }
0xbf: {  	v57 =	vimm.s32 $0x32107654;
	v2 =	vand.u32 $0xF, v55;
	v0 =	vadd.f32 v52, v0  }
0xc0: {  	v1 =	vcombine.low v2, v1;
	v2 =	vunpack.c.l.s4.s8 v56;
	v3 =	vunpack.c.l.s4.s8 v57  }
0xc1: {  	v0 =	vadd.f32 v53, v0  }
0xc2: {  	v2 =	vunpack.c.0.s8.s32 v2;
	v3 =	vunpack.c.0.s8.s32 v3  }
0xc3: {  	v1 =	vperm.xlane v0, v1  }
0xc4: {  	v59 =	vimm.s32 $0xDCFE98BA;
	v60 =	vimm.s32 $0x54761032;
	v58 =	vcombine.low v3, v2  }
0xc5: {  	v2 =	vunpack.c.l.s4.s8 v59;
	v3 =	vunpack.c.l.s4.s8 v60;
	v0 =	vadd.f32 v1, v0  }
0xc6: {  	v62 =	vimm.s32 $0x67452301  }
0xc7: {  	v2 =	vunpack.c.0.s8.s32 v2;
	v3 =	vunpack.c.0.s8.s32 v3;
	v1 =	vperm.xlane v0, v58  }
0xc8: {  	v61 =	vimm.s32 $0xEFCDAB89;
	v63 =	vunpack.c.l.s4.s8 v62  }
0xc9: {  	v2 =	vcombine.low v3, v2;
	v0 =	vadd.f32 v1, v0;
	v1 =	vunpack.c.l.s4.s8 v61;
	_ =	sdelay $0x1  }
0xca: {  	v3 =	vunpack.c.0.s8.s32 v63;
	v2 =	vperm.xlane v0, v2;
	v1 =	vunpack.c.0.s8.s32 v1;
	_ =	sdelay $0x1  }
0xcb: {  	v0 =	vadd.f32 v2, v0;
	v1 =	vcombine.low v3, v1;
	_ =	sdelay $0x1  }
0xcc: {  	v1 =	vperm.xlane v0, v1;
	_ =	sdelay $0x1  }
0xcd: {  	v0 =	vadd.f32 v1, v0;
	_ =	sdelay $0x1  }
0xce: {  	s31 =	simm.s32 $0x0;
	s5 =	simm.s32 $0x800;
	[tilespmem:$0x800] =	vst v0  }
0xcf: {  	[hbm4b:s2+s31] =	stream.linear.scatter [tilespmem:s5], [sflag:$0x5], $0x80, $0x38;
	[tilespmem:$0xA90] =	vst v63  }
0xd0: {  	_ =	swait.ge [sflag:s30], $0x80  }
0xd1: {  	[sflag:s30] =	ssyncset.done $0x0  }
0xd2: {  	[sflag:s30] =	ssyncadd.s32 $0xFFFFFF80  }
.LBB2_7:
0xd3: {  	_ =	sfence.sel $0x180000  }
0xd4: {  	[bflag:$0x0] =	sbarrier.arrive $0xFFFF  }
0xd5: {  	p0 =	sne.s32 s1, $0x0;
	_ =	strace $0x90000047  }
0xd6: {  	s0 =	sadd.s32 @!p0 $0x100000, s0;
	[bflag:$0x2] =	sbarrier.arrive $0xFFFF  }
0xd7: {  	[sflag:s0] =	ssyncadd.tile.s32 @!p0 $0x1;
	_ =	shalt  }
.Lfunc_end2:
_tile_overlayer_lowered:
.L_overlay_start_2:
0xd8: {  	(tag) =	ssettag $0x2  }
0xd9: {  	s0 =	rddreg [dreg:$0x0];
	s2 =	stileid.u32  }
0xda: {  	s1 =	rddreg [dreg:$0x1];
	p0 =	sne.s32 s2, $0x0  }
0xdb: {  	s3 =	rddreg [dreg:$0x2];
	[bflag:$0x3] =	sbarrier.arrive $0xFFFF;
	s2 =	simm.s32 @!p0 $0x1C05  }
0xdc: {  	[timem:s3], [sflag:s2] =	dma.local @!p0 [hbm:s0], s1  }
0xdd: {  	s0 =	simm.s32 @!p0 $0x5  }
0xde: {  	_ =	swait.ge @!p0 [sflag:s0], s1  }
0xdf: {  	s1 =	ssub.s32 @!p0 $0x0, s1;
	[sflag:s0] =	ssyncset.done @!p0 $0x0  }
0xe0: {  	[sflag:s0] =	ssyncadd.s32 @!p0 s1  }
0xe1: {  	[bflag:$0x3] =	sbarrier.arrive $0xFFFF  }
0xe2: {  	_ =	shalt  }

</sc_bundles>
